<compile_context>
chip_gen: v7x
topology: tpu7x:2x2x1
jax: 0.10.2.dev20260603
libtpu: 0.0.44.dev20260713+nightly
codegen_flags: <defaults>
</compile_context>

<pallas_src>
import jax
import jax.numpy as jnp
from jax import lax
from jax.experimental import pallas as pl
from jax.experimental.pallas import tpu as pltpu
from jax.experimental.pallas import tpu_sc as plsc

NC = 2
NS = 16
NW = NC * NS
LANES = 16

B = 16384
N_ITEMS = 5
NAME_LEN = 8
ROWS = B * N_ITEMS
ITEMS_PW = ROWS // NW
IW = 128
CHUNK = IW
NCH = ITEMS_PW // CHUNK
D_ID = 16
D_GICS = 16
D_NAME = 32
D_OUT = D_ID + D_GICS + D_NAME


def _body(id_idx, gics_idx, name_idx, id_table, gics_table, name_table,
          out, idx_id_v, idx_gics_v, idx_name_v,
          id_r0, id_r1, gc_r0, gc_r1, tok0, tok1, acc0, acc1,
          sem_g0, sem_g1, sem_o0, sem_o1):
    wid = lax.axis_index("s") * NC + lax.axis_index("c")
    bufs = ((id_r0, gc_r0, tok0, acc0, sem_g0, sem_o0),
            (id_r1, gc_r1, tok1, acc1, sem_g1, sem_o1))

    pltpu.sync_copy(id_idx.at[pl.ds(wid * NCH, NCH)], idx_id_v)
    pltpu.sync_copy(gics_idx.at[pl.ds(wid * NCH, NCH)], idx_gics_v)
    pltpu.sync_copy(name_idx.at[pl.ds(wid * NCH * NAME_LEN, NCH * NAME_LEN)],
                    idx_name_v)

    def gather_descs(ci, b):
        idr, gcr, tok, _, semg, _ = bufs[b]
        ds = [pltpu.make_async_copy(id_table.at[idx_id_v.at[ci]], idr, semg),
              pltpu.make_async_copy(gics_table.at[idx_gics_v.at[ci]], gcr,
                                    semg)]
        for j in range(NAME_LEN):
            ds.append(pltpu.make_async_copy(
                name_table.at[idx_name_v.at[ci * NAME_LEN + j]],
                tok.at[pl.ds(j * IW, IW)], semg))
        return ds

    def out_descs(ci, b):
        idr, gcr, _, acc, _, semo = bufs[b]
        base = wid * ITEMS_PW + ci * CHUNK
        return [
            pltpu.make_async_copy(
                idr, out.at[pl.ds(base, CHUNK), pl.ds(0, D_ID)], semo),
            pltpu.make_async_copy(
                gcr, out.at[pl.ds(base, CHUNK), pl.ds(D_ID, D_GICS)], semo),
            pltpu.make_async_copy(
                acc, out.at[pl.ds(base, CHUNK), pl.ds(D_ID + D_GICS, D_NAME)],
                semo),
        ]

    def pool(b):
        _, _, tok, acc, _, _ = bufs[b]

        def pool_body(i, _):
            s0 = tok[i * NAME_LEN, pl.ds(0, LANES)]
            s1 = tok[i * NAME_LEN, pl.ds(LANES, LANES)]
            for t in range(1, NAME_LEN):
                s0 = s0 + tok[i * NAME_LEN + t, pl.ds(0, LANES)]
                s1 = s1 + tok[i * NAME_LEN + t, pl.ds(LANES, LANES)]
            acc[i, pl.ds(0, LANES)] = s0 * (1.0 / NAME_LEN)
            acc[i, pl.ds(LANES, LANES)] = s1 * (1.0 / NAME_LEN)
            return 0

        lax.fori_loop(0, CHUNK, pool_body, 0, unroll=2)

    for d in gather_descs(0, 0):
        d.start()

    def super_body(s, _):
        for b in range(2):
            ci = 2 * s + b
            nb = 1 - b

            @pl.when(ci + 1 < NCH)
            def _issue_next():
                @pl.when(ci >= 1)
                def _drain_prev_out():
                    for d in out_descs(ci - 1, nb):
                        d.wait()

                for d in gather_descs(ci + 1, nb):
                    d.start()

            for d in gather_descs(ci, b):
                d.wait()
            pool(b)
            for d in out_descs(ci, b):
                d.start()
        return 0

    lax.fori_loop(0, NCH // 2, super_body, 0)
    for d in out_descs(NCH - 2, 0):
        d.wait()
    for d in out_descs(NCH - 1, 1):
        d.wait()


@jax.jit
def kernel(item_id, item_gics, item_name_tokens, id_table, gics_table,
           name_table):
    id_idx = jnp.asarray(item_id, jnp.int32).reshape(ROWS // IW, IW)
    gics_idx = jnp.asarray(item_gics, jnp.int32).reshape(ROWS // IW, IW)
    name_idx = jnp.asarray(item_name_tokens, jnp.int32).reshape(
        ROWS * NAME_LEN // IW, IW)

    kfn = pl.kernel(
        _body,
        out_type=jax.ShapeDtypeStruct((ROWS, D_OUT), jnp.float32),
        mesh=plsc.VectorSubcoreMesh(core_axis_name="c", subcore_axis_name="s"),
        compiler_params=pltpu.CompilerParams(use_tc_tiling_on_sc=False),
        scratch_types=[
            pltpu.VMEM((NCH, IW), jnp.int32),
            pltpu.VMEM((NCH, IW), jnp.int32),
            pltpu.VMEM((NCH * NAME_LEN, IW), jnp.int32),
            pltpu.VMEM((CHUNK, D_ID), jnp.float32),
            pltpu.VMEM((CHUNK, D_ID), jnp.float32),
            pltpu.VMEM((CHUNK, D_GICS), jnp.float32),
            pltpu.VMEM((CHUNK, D_GICS), jnp.float32),
            pltpu.VMEM((CHUNK * NAME_LEN, D_NAME), jnp.float32),
            pltpu.VMEM((CHUNK * NAME_LEN, D_NAME), jnp.float32),
            pltpu.VMEM((CHUNK, D_NAME), jnp.float32),
            pltpu.VMEM((CHUNK, D_NAME), jnp.float32),
            pltpu.SemaphoreType.DMA,
            pltpu.SemaphoreType.DMA,
            pltpu.SemaphoreType.DMA,
            pltpu.SemaphoreType.DMA,
        ],
    )
    out = kfn(id_idx, gics_idx, name_idx, id_table, gics_table, name_table)
    return out.reshape(B, N_ITEMS, D_OUT)

# --- scband reference (transcript-rebuilt; emitter-appended) ---
"""Pipeline reference for scband-item-model-71365176590682 (READ-ONLY COPY).

The authoritative reference and input builder live on the scoring server;
editing this copy changes nothing except your own understanding.
"""

import jax, jax.numpy as jnp
import numpy as np

ID_VOCAB = 1000000
GICS_VOCAB = 1000
NAME_VOCAB = 10000
BATCH = 16384
N_ITEMS = 5
NAME_LEN = 8

def setup_inputs(seed: int = 0) -> dict:
    key = jax.random.key(seed)
    k1, k2, k3, k4, k5, k6 = jax.random.split(key, 6)
    item_id = jax.random.randint(k1, (BATCH, N_ITEMS), 0, ID_VOCAB + 1, dtype=jnp.int64 if jax.config.jax_enable_x64 else jnp.int32)
    item_gics = jax.random.randint(k2, (BATCH, N_ITEMS), 0, GICS_VOCAB + 1, dtype=item_id.dtype)
    item_name_tokens = jax.random.randint(k3, (BATCH, N_ITEMS, NAME_LEN), 0, NAME_VOCAB, dtype=item_id.dtype)
    # Learned parameters: StringLookup+Embedding pairs become integer-indexed tables
    id_table = jax.random.normal(k4, (ID_VOCAB + 1, 16), dtype=jnp.float32) * 0.05
    gics_table = jax.random.normal(k5, (GICS_VOCAB + 1, 16), dtype=jnp.float32) * 0.05
    name_table = jax.random.normal(k6, (NAME_VOCAB, 32), dtype=jnp.float32) * 0.05
    return {
        "item_id": item_id,
        "item_gics": item_gics,
        "item_name_tokens": item_name_tokens,
        "id_table": id_table,
        "gics_table": gics_table,
        "name_table": name_table,
    }

def reference(item_id, item_gics, item_name_tokens, id_table, gics_table, name_table):
    # embed_item_id: StringLookup -> Embedding(len(ids)+1, 16)
    e_id = jnp.take(id_table, item_id, axis=0)            # [B, 5, 16]
    # embed_items_gics: StringLookup -> Embedding(len(gics)+1, 16)
    e_gics = jnp.take(gics_table, item_gics, axis=0)      # [B, 5, 16]
    # embed_item_name: TextVectorization -> Embedding(max_tokens, 32) -> mean over token axis (-2)
    name_emb = jnp.take(name_table, item_name_tokens, axis=0)  # [B, 5, T, 32]
    e_name = jnp.mean(name_emb, axis=-2)                  # [B, 5, 32]
    return jnp.concatenate([e_id, e_gics, e_name], axis=2)  # [B, 5, 64]

if __name__ == "__main__":
    import jax
    _d = setup_inputs()
    print(jax.jit(kernel)(*tuple(_d.values())))

</pallas_src>

<mosaic_0001>
#map = affine_map<(d0, d1) -> (0, 0)>
module attributes {stable_mosaic.version = 14 : i64} {
  func.func @_body(%arg0: i32, %arg1: i32, %arg2: memref<640x128xi32, #tpu.memory_space<hbm>>, %arg3: memref<640x128xi32, #tpu.memory_space<hbm>>, %arg4: memref<5120x128xi32, #tpu.memory_space<hbm>>, %arg5: memref<1000001x16xf32, #tpu.memory_space<hbm>>, %arg6: memref<1001x16xf32, #tpu.memory_space<hbm>>, %arg7: memref<10000x32xf32, #tpu.memory_space<hbm>>, %arg8: memref<81920x64xf32, #tpu.memory_space<hbm>>, %arg9: memref<20x128xi32, #tpu.memory_space<vmem>>, %arg10: memref<20x128xi32, #tpu.memory_space<vmem>>, %arg11: memref<160x128xi32, #tpu.memory_space<vmem>>, %arg12: memref<128x16xf32, #tpu.memory_space<vmem>>, %arg13: memref<128x16xf32, #tpu.memory_space<vmem>>, %arg14: memref<128x16xf32, #tpu.memory_space<vmem>>, %arg15: memref<128x16xf32, #tpu.memory_space<vmem>>, %arg16: memref<1024x32xf32, #tpu.memory_space<vmem>>, %arg17: memref<1024x32xf32, #tpu.memory_space<vmem>>, %arg18: memref<128x32xf32, #tpu.memory_space<vmem>>, %arg19: memref<128x32xf32, #tpu.memory_space<vmem>>, %arg20: memref<!tpu.dma_semaphore, #tpu.memory_space<semaphore_mem>>, %arg21: memref<!tpu.dma_semaphore, #tpu.memory_space<semaphore_mem>>, %arg22: memref<!tpu.dma_semaphore, #tpu.memory_space<semaphore_mem>>, %arg23: memref<!tpu.dma_semaphore, #tpu.memory_space<semaphore_mem>>) attributes {dimension_semantics = [#tpu.dimension_semantics<core_parallel>, #tpu.dimension_semantics<subcore_parallel>], iteration_bounds = array<i64: 2, 16>, scalar_prefetch = 0 : i64, scratch_operands = 15 : i64, tpu.core_type = #tpu.core_type<sc_vector_subcore>, window_params = [{transform_indices = #map}, {transform_indices = #map}, {transform_indices = #map}, {transform_indices = #map}, {transform_indices = #map}, {transform_indices = #map}, {transform_indices = #map}]} {
    %mul3A = arith.constant 2 : i32
    %mul3A_0 = arith.muli %arg1, %mul3A : i32
    %add3A = arith.addi %mul3A_0, %arg0 : i32
    %mul3A_1 = arith.constant 20 : i32
    %mul3A_2 = arith.muli %add3A, %mul3A_1 : i32
    "tpu.region"() ({
      %run_scoped3A = tpu.sem_alloc : memref<!tpu.dma_semaphore, #tpu.memory_space<semaphore_mem>>
      %dma_start3A_139 = arith.constant 0 : i32
      %dma_start3A_140 = tpu.memref_slice %arg2[%mul3A_2, %dma_start3A_139] : memref<640x128xi32, #tpu.memory_space<hbm>> -> memref<20x128xi32, #tpu.memory_space<hbm>>
      %dma_start3A_141 = arith.constant 0 : i32
      %dma_start3A_142 = tpu.memref_slice %arg2[%mul3A_2, %dma_start3A_141] : memref<640x128xi32, #tpu.memory_space<hbm>> -> memref<20x128xi32, #tpu.memory_space<hbm>>
      tpu.enqueue_dma source(%dma_start3A_142 : memref<20x128xi32, #tpu.memory_space<hbm>>) target(%arg9 : memref<20x128xi32, #tpu.memory_space<vmem>>) target_semaphore(%run_scoped3A : memref<!tpu.dma_semaphore, #tpu.memory_space<semaphore_mem>>)
      %dma_wait3A_143 = arith.constant 0 : i32
      %dma_wait3A_144 = tpu.memref_slice %arg2[%mul3A_2, %dma_wait3A_143] : memref<640x128xi32, #tpu.memory_space<hbm>> -> memref<20x128xi32, #tpu.memory_space<hbm>>
      %dma_wait3A_145 = arith.constant 0 : i32
      %dma_wait3A_146 = tpu.memref_slice %arg2[%mul3A_2, %dma_wait3A_145] : memref<640x128xi32, #tpu.memory_space<hbm>> -> memref<20x128xi32, #tpu.memory_space<hbm>>
      tpu.wait_dma2 semaphore(%run_scoped3A : memref<!tpu.dma_semaphore, #tpu.memory_space<semaphore_mem>>) src(%dma_wait3A_146 : memref<20x128xi32, #tpu.memory_space<hbm>>) dst(%arg9 : memref<20x128xi32, #tpu.memory_space<vmem>>)
      tpu.yield
    }) : () -> ()
    %mul3A_3 = arith.constant 20 : i32
    %mul3A_4 = arith.muli %add3A, %mul3A_3 : i32
    "tpu.region"() ({
      %run_scoped3A = tpu.sem_alloc : memref<!tpu.dma_semaphore, #tpu.memory_space<semaphore_mem>>
      %dma_start3A_139 = arith.constant 0 : i32
      %dma_start3A_140 = tpu.memref_slice %arg3[%mul3A_4, %dma_start3A_139] : memref<640x128xi32, #tpu.memory_space<hbm>> -> memref<20x128xi32, #tpu.memory_space<hbm>>
      %dma_start3A_141 = arith.constant 0 : i32
      %dma_start3A_142 = tpu.memref_slice %arg3[%mul3A_4, %dma_start3A_141] : memref<640x128xi32, #tpu.memory_space<hbm>> -> memref<20x128xi32, #tpu.memory_space<hbm>>
      tpu.enqueue_dma source(%dma_start3A_142 : memref<20x128xi32, #tpu.memory_space<hbm>>) target(%arg10 : memref<20x128xi32, #tpu.memory_space<vmem>>) target_semaphore(%run_scoped3A : memref<!tpu.dma_semaphore, #tpu.memory_space<semaphore_mem>>)
      %dma_wait3A_143 = arith.constant 0 : i32
      %dma_wait3A_144 = tpu.memref_slice %arg3[%mul3A_4, %dma_wait3A_143] : memref<640x128xi32, #tpu.memory_space<hbm>> -> memref<20x128xi32, #tpu.memory_space<hbm>>
      %dma_wait3A_145 = arith.constant 0 : i32
      %dma_wait3A_146 = tpu.memref_slice %arg3[%mul3A_4, %dma_wait3A_145] : memref<640x128xi32, #tpu.memory_space<hbm>> -> memref<20x128xi32, #tpu.memory_space<hbm>>
      tpu.wait_dma2 semaphore(%run_scoped3A : memref<!tpu.dma_semaphore, #tpu.memory_space<semaphore_mem>>) src(%dma_wait3A_146 : memref<20x128xi32, #tpu.memory_space<hbm>>) dst(%arg10 : memref<20x128xi32, #tpu.memory_space<vmem>>)
      tpu.yield
    }) : () -> ()
    %mul3A_5 = arith.constant 20 : i32
    %mul3A_6 = arith.muli %add3A, %mul3A_5 : i32
    %mul3A_7 = arith.constant 8 : i32
    %mul3A_8 = arith.muli %mul3A_6, %mul3A_7 : i32
    "tpu.region"() ({
      %run_scoped3A = tpu.sem_alloc : memref<!tpu.dma_semaphore, #tpu.memory_space<semaphore_mem>>
      %dma_start3A_139 = arith.constant 0 : i32
      %dma_start3A_140 = tpu.memref_slice %arg4[%mul3A_8, %dma_start3A_139] : memref<5120x128xi32, #tpu.memory_space<hbm>> -> memref<160x128xi32, #tpu.memory_space<hbm>>
      %dma_start3A_141 = arith.constant 0 : i32
      %dma_start3A_142 = tpu.memref_slice %arg4[%mul3A_8, %dma_start3A_141] : memref<5120x128xi32, #tpu.memory_space<hbm>> -> memref<160x128xi32, #tpu.memory_space<hbm>>
      tpu.enqueue_dma source(%dma_start3A_142 : memref<160x128xi32, #tpu.memory_space<hbm>>) target(%arg11 : memref<160x128xi32, #tpu.memory_space<vmem>>) target_semaphore(%run_scoped3A : memref<!tpu.dma_semaphore, #tpu.memory_space<semaphore_mem>>)
      %dma_wait3A_143 = arith.constant 0 : i32
      %dma_wait3A_144 = tpu.memref_slice %arg4[%mul3A_8, %dma_wait3A_143] : memref<5120x128xi32, #tpu.memory_space<hbm>> -> memref<160x128xi32, #tpu.memory_space<hbm>>
      %dma_wait3A_145 = arith.constant 0 : i32
      %dma_wait3A_146 = tpu.memref_slice %arg4[%mul3A_8, %dma_wait3A_145] : memref<5120x128xi32, #tpu.memory_space<hbm>> -> memref<160x128xi32, #tpu.memory_space<hbm>>
      tpu.wait_dma2 semaphore(%run_scoped3A : memref<!tpu.dma_semaphore, #tpu.memory_space<semaphore_mem>>) src(%dma_wait3A_146 : memref<160x128xi32, #tpu.memory_space<hbm>>) dst(%arg11 : memref<160x128xi32, #tpu.memory_space<vmem>>)
      tpu.yield
    }) : () -> ()
    %dma_start3A = arith.constant 0 : i32
    %dma_start3A_9 = arith.constant 0 : i32
    %dma_start3A_10 = tpu.memref_slice %arg9[%dma_start3A, %dma_start3A_9] : memref<20x128xi32, #tpu.memory_space<vmem>> -> memref<1x128xi32, #tpu.memory_space<vmem>>
    %dma_start3A_11 = tpu.memref_squeeze %dma_start3A_10 : memref<1x128xi32, #tpu.memory_space<vmem>> -> memref<128xi32, #tpu.memory_space<vmem>>
    %dma_start3A_12 = arith.constant 0 : i32
    %dma_start3A_13 = arith.constant 0 : i32
    %dma_start3A_14 = tpu.memref_slice %arg5[%dma_start3A_12, %dma_start3A_13] : memref<1000001x16xf32, #tpu.memory_space<hbm>> -> memref<1000001x16xf32, #tpu.memory_space<hbm>>
    tpu.enqueue_indirect_dma source(%dma_start3A_14 : memref<1000001x16xf32, #tpu.memory_space<hbm>>) target(%arg12 : memref<128x16xf32, #tpu.memory_space<vmem>>) offsets(%dma_start3A_11 : memref<128xi32, #tpu.memory_space<vmem>>) semaphore(%arg20 : memref<!tpu.dma_semaphore, #tpu.memory_space<semaphore_mem>>)
    %dma_start3A_15 = arith.constant 0 : i32
    %dma_start3A_16 = arith.constant 0 : i32
    %dma_start3A_17 = tpu.memref_slice %arg10[%dma_start3A_15, %dma_start3A_16] : memref<20x128xi32, #tpu.memory_space<vmem>> -> memref<1x128xi32, #tpu.memory_space<vmem>>
    %dma_start3A_18 = tpu.memref_squeeze %dma_start3A_17 : memref<1x128xi32, #tpu.memory_space<vmem>> -> memref<128xi32, #tpu.memory_space<vmem>>
    %dma_start3A_19 = arith.constant 0 : i32
    %dma_start3A_20 = arith.constant 0 : i32
    %dma_start3A_21 = tpu.memref_slice %arg6[%dma_start3A_19, %dma_start3A_20] : memref<1001x16xf32, #tpu.memory_space<hbm>> -> memref<1001x16xf32, #tpu.memory_space<hbm>>
    tpu.enqueue_indirect_dma source(%dma_start3A_21 : memref<1001x16xf32, #tpu.memory_space<hbm>>) target(%arg14 : memref<128x16xf32, #tpu.memory_space<vmem>>) offsets(%dma_start3A_18 : memref<128xi32, #tpu.memory_space<vmem>>) semaphore(%arg20 : memref<!tpu.dma_semaphore, #tpu.memory_space<semaphore_mem>>)
    %dma_start3A_22 = arith.constant 0 : i32
    %dma_start3A_23 = arith.constant 0 : i32
    %dma_start3A_24 = arith.constant 0 : i32
    %dma_start3A_25 = tpu.memref_slice %arg16[%dma_start3A_23, %dma_start3A_24] : memref<1024x32xf32, #tpu.memory_space<vmem>> -> memref<128x32xf32, #tpu.memory_space<vmem>>
    %dma_start3A_26 = arith.constant 0 : i32
    %dma_start3A_27 = tpu.memref_slice %arg11[%dma_start3A_22, %dma_start3A_26] : memref<160x128xi32, #tpu.memory_space<vmem>> -> memref<1x128xi32, #tpu.memory_space<vmem>>
    %dma_start3A_28 = tpu.memref_squeeze %dma_start3A_27 : memref<1x128xi32, #tpu.memory_space<vmem>> -> memref<128xi32, #tpu.memory_space<vmem>>
    %dma_start3A_29 = arith.constant 0 : i32
    %dma_start3A_30 = arith.constant 0 : i32
    %dma_start3A_31 = tpu.memref_slice %arg7[%dma_start3A_29, %dma_start3A_30] : memref<10000x32xf32, #tpu.memory_space<hbm>> -> memref<10000x32xf32, #tpu.memory_space<hbm>>
    tpu.enqueue_indirect_dma source(%dma_start3A_31 : memref<10000x32xf32, #tpu.memory_space<hbm>>) target(%dma_start3A_25 : memref<128x32xf32, #tpu.memory_space<vmem>>) offsets(%dma_start3A_28 : memref<128xi32, #tpu.memory_space<vmem>>) semaphore(%arg20 : memref<!tpu.dma_semaphore, #tpu.memory_space<semaphore_mem>>)
    %dma_start3A_32 = arith.constant 1 : i32
    %dma_start3A_33 = arith.constant 128 : i32
    %dma_start3A_34 = arith.constant 0 : i32
    %dma_start3A_35 = tpu.memref_slice %arg16[%dma_start3A_33, %dma_start3A_34] : memref<1024x32xf32, #tpu.memory_space<vmem>> -> memref<128x32xf32, #tpu.memory_space<vmem>>
    %dma_start3A_36 = arith.constant 0 : i32
    %dma_start3A_37 = tpu.memref_slice %arg11[%dma_start3A_32, %dma_start3A_36] : memref<160x128xi32, #tpu.memory_space<vmem>> -> memref<1x128xi32, #tpu.memory_space<vmem>>
    %dma_start3A_38 = tpu.memref_squeeze %dma_start3A_37 : memref<1x128xi32, #tpu.memory_space<vmem>> -> memref<128xi32, #tpu.memory_space<vmem>>
    %dma_start3A_39 = arith.constant 0 : i32
    %dma_start3A_40 = arith.constant 0 : i32
    %dma_start3A_41 = tpu.memref_slice %arg7[%dma_start3A_39, %dma_start3A_40] : memref<10000x32xf32, #tpu.memory_space<hbm>> -> memref<10000x32xf32, #tpu.memory_space<hbm>>
    tpu.enqueue_indirect_dma source(%dma_start3A_41 : memref<10000x32xf32, #tpu.memory_space<hbm>>) target(%dma_start3A_35 : memref<128x32xf32, #tpu.memory_space<vmem>>) offsets(%dma_start3A_38 : memref<128xi32, #tpu.memory_space<vmem>>) semaphore(%arg20 : memref<!tpu.dma_semaphore, #tpu.memory_space<semaphore_mem>>)
    %dma_start3A_42 = arith.constant 2 : i32
    %dma_start3A_43 = arith.constant 256 : i32
    %dma_start3A_44 = arith.constant 0 : i32
    %dma_start3A_45 = tpu.memref_slice %arg16[%dma_start3A_43, %dma_start3A_44] : memref<1024x32xf32, #tpu.memory_space<vmem>> -> memref<128x32xf32, #tpu.memory_space<vmem>>
    %dma_start3A_46 = arith.constant 0 : i32
    %dma_start3A_47 = tpu.memref_slice %arg11[%dma_start3A_42, %dma_start3A_46] : memref<160x128xi32, #tpu.memory_space<vmem>> -> memref<1x128xi32, #tpu.memory_space<vmem>>
    %dma_start3A_48 = tpu.memref_squeeze %dma_start3A_47 : memref<1x128xi32, #tpu.memory_space<vmem>> -> memref<128xi32, #tpu.memory_space<vmem>>
    %dma_start3A_49 = arith.constant 0 : i32
    %dma_start3A_50 = arith.constant 0 : i32
    %dma_start3A_51 = tpu.memref_slice %arg7[%dma_start3A_49, %dma_start3A_50] : memref<10000x32xf32, #tpu.memory_space<hbm>> -> memref<10000x32xf32, #tpu.memory_space<hbm>>
    tpu.enqueue_indirect_dma source(%dma_start3A_51 : memref<10000x32xf32, #tpu.memory_space<hbm>>) target(%dma_start3A_45 : memref<128x32xf32, #tpu.memory_space<vmem>>) offsets(%dma_start3A_48 : memref<128xi32, #tpu.memory_space<vmem>>) semaphore(%arg20 : memref<!tpu.dma_semaphore, #tpu.memory_space<semaphore_mem>>)
    %dma_start3A_52 = arith.constant 3 : i32
    %dma_start3A_53 = arith.constant 384 : i32
    %dma_start3A_54 = arith.constant 0 : i32
    %dma_start3A_55 = tpu.memref_slice %arg16[%dma_start3A_53, %dma_start3A_54] : memref<1024x32xf32, #tpu.memory_space<vmem>> -> memref<128x32xf32, #tpu.memory_space<vmem>>
    %dma_start3A_56 = arith.constant 0 : i32
    %dma_start3A_57 = tpu.memref_slice %arg11[%dma_start3A_52, %dma_start3A_56] : memref<160x128xi32, #tpu.memory_space<vmem>> -> memref<1x128xi32, #tpu.memory_space<vmem>>
    %dma_start3A_58 = tpu.memref_squeeze %dma_start3A_57 : memref<1x128xi32, #tpu.memory_space<vmem>> -> memref<128xi32, #tpu.memory_space<vmem>>
    %dma_start3A_59 = arith.constant 0 : i32
    %dma_start3A_60 = arith.constant 0 : i32
    %dma_start3A_61 = tpu.memref_slice %arg7[%dma_start3A_59, %dma_start3A_60] : memref<10000x32xf32, #tpu.memory_space<hbm>> -> memref<10000x32xf32, #tpu.memory_space<hbm>>
    tpu.enqueue_indirect_dma source(%dma_start3A_61 : memref<10000x32xf32, #tpu.memory_space<hbm>>) target(%dma_start3A_55 : memref<128x32xf32, #tpu.memory_space<vmem>>) offsets(%dma_start3A_58 : memref<128xi32, #tpu.memory_space<vmem>>) semaphore(%arg20 : memref<!tpu.dma_semaphore, #tpu.memory_space<semaphore_mem>>)
    %dma_start3A_62 = arith.constant 4 : i32
    %dma_start3A_63 = arith.constant 512 : i32
    %dma_start3A_64 = arith.constant 0 : i32
    %dma_start3A_65 = tpu.memref_slice %arg16[%dma_start3A_63, %dma_start3A_64] : memref<1024x32xf32, #tpu.memory_space<vmem>> -> memref<128x32xf32, #tpu.memory_space<vmem>>
    %dma_start3A_66 = arith.constant 0 : i32
    %dma_start3A_67 = tpu.memref_slice %arg11[%dma_start3A_62, %dma_start3A_66] : memref<160x128xi32, #tpu.memory_space<vmem>> -> memref<1x128xi32, #tpu.memory_space<vmem>>
    %dma_start3A_68 = tpu.memref_squeeze %dma_start3A_67 : memref<1x128xi32, #tpu.memory_space<vmem>> -> memref<128xi32, #tpu.memory_space<vmem>>
    %dma_start3A_69 = arith.constant 0 : i32
    %dma_start3A_70 = arith.constant 0 : i32
    %dma_start3A_71 = tpu.memref_slice %arg7[%dma_start3A_69, %dma_start3A_70] : memref<10000x32xf32, #tpu.memory_space<hbm>> -> memref<10000x32xf32, #tpu.memory_space<hbm>>
    tpu.enqueue_indirect_dma source(%dma_start3A_71 : memref<10000x32xf32, #tpu.memory_space<hbm>>) target(%dma_start3A_65 : memref<128x32xf32, #tpu.memory_space<vmem>>) offsets(%dma_start3A_68 : memref<128xi32, #tpu.memory_space<vmem>>) semaphore(%arg20 : memref<!tpu.dma_semaphore, #tpu.memory_space<semaphore_mem>>)
    %dma_start3A_72 = arith.constant 5 : i32
    %dma_start3A_73 = arith.constant 640 : i32
    %dma_start3A_74 = arith.constant 0 : i32
    %dma_start3A_75 = tpu.memref_slice %arg16[%dma_start3A_73, %dma_start3A_74] : memref<1024x32xf32, #tpu.memory_space<vmem>> -> memref<128x32xf32, #tpu.memory_space<vmem>>
    %dma_start3A_76 = arith.constant 0 : i32
    %dma_start3A_77 = tpu.memref_slice %arg11[%dma_start3A_72, %dma_start3A_76] : memref<160x128xi32, #tpu.memory_space<vmem>> -> memref<1x128xi32, #tpu.memory_space<vmem>>
    %dma_start3A_78 = tpu.memref_squeeze %dma_start3A_77 : memref<1x128xi32, #tpu.memory_space<vmem>> -> memref<128xi32, #tpu.memory_space<vmem>>
    %dma_start3A_79 = arith.constant 0 : i32
    %dma_start3A_80 = arith.constant 0 : i32
    %dma_start3A_81 = tpu.memref_slice %arg7[%dma_start3A_79, %dma_start3A_80] : memref<10000x32xf32, #tpu.memory_space<hbm>> -> memref<10000x32xf32, #tpu.memory_space<hbm>>
    tpu.enqueue_indirect_dma source(%dma_start3A_81 : memref<10000x32xf32, #tpu.memory_space<hbm>>) target(%dma_start3A_75 : memref<128x32xf32, #tpu.memory_space<vmem>>) offsets(%dma_start3A_78 : memref<128xi32, #tpu.memory_space<vmem>>) semaphore(%arg20 : memref<!tpu.dma_semaphore, #tpu.memory_space<semaphore_mem>>)
    %dma_start3A_82 = arith.constant 6 : i32
    %dma_start3A_83 = arith.constant 768 : i32
    %dma_start3A_84 = arith.constant 0 : i32
    %dma_start3A_85 = tpu.memref_slice %arg16[%dma_start3A_83, %dma_start3A_84] : memref<1024x32xf32, #tpu.memory_space<vmem>> -> memref<128x32xf32, #tpu.memory_space<vmem>>
    %dma_start3A_86 = arith.constant 0 : i32
    %dma_start3A_87 = tpu.memref_slice %arg11[%dma_start3A_82, %dma_start3A_86] : memref<160x128xi32, #tpu.memory_space<vmem>> -> memref<1x128xi32, #tpu.memory_space<vmem>>
    %dma_start3A_88 = tpu.memref_squeeze %dma_start3A_87 : memref<1x128xi32, #tpu.memory_space<vmem>> -> memref<128xi32, #tpu.memory_space<vmem>>
    %dma_start3A_89 = arith.constant 0 : i32
    %dma_start3A_90 = arith.constant 0 : i32
    %dma_start3A_91 = tpu.memref_slice %arg7[%dma_start3A_89, %dma_start3A_90] : memref<10000x32xf32, #tpu.memory_space<hbm>> -> memref<10000x32xf32, #tpu.memory_space<hbm>>
    tpu.enqueue_indirect_dma source(%dma_start3A_91 : memref<10000x32xf32, #tpu.memory_space<hbm>>) target(%dma_start3A_85 : memref<128x32xf32, #tpu.memory_space<vmem>>) offsets(%dma_start3A_88 : memref<128xi32, #tpu.memory_space<vmem>>) semaphore(%arg20 : memref<!tpu.dma_semaphore, #tpu.memory_space<semaphore_mem>>)
    %dma_start3A_92 = arith.constant 7 : i32
    %dma_start3A_93 = arith.constant 896 : i32
    %dma_start3A_94 = arith.constant 0 : i32
    %dma_start3A_95 = tpu.memref_slice %arg16[%dma_start3A_93, %dma_start3A_94] : memref<1024x32xf32, #tpu.memory_space<vmem>> -> memref<128x32xf32, #tpu.memory_space<vmem>>
    %dma_start3A_96 = arith.constant 0 : i32
    %dma_start3A_97 = tpu.memref_slice %arg11[%dma_start3A_92, %dma_start3A_96] : memref<160x128xi32, #tpu.memory_space<vmem>> -> memref<1x128xi32, #tpu.memory_space<vmem>>
    %dma_start3A_98 = tpu.memref_squeeze %dma_start3A_97 : memref<1x128xi32, #tpu.memory_space<vmem>> -> memref<128xi32, #tpu.memory_space<vmem>>
    %dma_start3A_99 = arith.constant 0 : i32
    %dma_start3A_100 = arith.constant 0 : i32
    %dma_start3A_101 = tpu.memref_slice %arg7[%dma_start3A_99, %dma_start3A_100] : memref<10000x32xf32, #tpu.memory_space<hbm>> -> memref<10000x32xf32, #tpu.memory_space<hbm>>
    tpu.enqueue_indirect_dma source(%dma_start3A_101 : memref<10000x32xf32, #tpu.memory_space<hbm>>) target(%dma_start3A_95 : memref<128x32xf32, #tpu.memory_space<vmem>>) offsets(%dma_start3A_98 : memref<128xi32, #tpu.memory_space<vmem>>) semaphore(%arg20 : memref<!tpu.dma_semaphore, #tpu.memory_space<semaphore_mem>>)
    %scan3A = arith.constant 0 : i32
    %scan3A_102 = arith.constant 0 : i32
    %scan3A_103 = arith.constant 10 : i32
    %scan3A_104 = arith.addi %scan3A_102, %scan3A_103 : i32
    %scan3A_105 = arith.constant 1 : i32
    %scan3A_106 = scf.for %scan3A_139 = %scan3A_102 to %scan3A_104 step %scan3A_105 iter_args(%scan3A_140 = %scan3A) -> (i32)  : i32 {
      %mul3A_141 = arith.constant 2 : i32
      %mul3A_142 = arith.muli %mul3A_141, %scan3A_139 : i32
      %add3A_143 = arith.constant 0 : i32
      %add3A_144 = arith.addi %mul3A_142, %add3A_143 : i32
      %add3A_145 = arith.constant 1 : i32
      %add3A_146 = arith.addi %add3A_144, %add3A_145 : i32
      %lt3A = arith.constant 20 : i32
      %lt3A_147 = arith.cmpi slt, %add3A_146, %lt3A : i32
      %convert_element_type3A = arith.extui %lt3A_147 : i1 to i32
      %cond3A = arith.constant 0 : i32
      %cond3A_148 = arith.cmpi ne, %convert_element_type3A, %cond3A : i32
      scf.if %cond3A_148 {
        %ge3A = arith.constant 1 : i32
        %ge3A_441 = arith.cmpi sge, %add3A_144, %ge3A : i32
        %convert_element_type3A_442 = arith.extui %ge3A_441 : i1 to i32
        %cond3A_443 = arith.constant 0 : i32
        %cond3A_444 = arith.cmpi ne, %convert_element_type3A_442, %cond3A_443 : i32
        scf.if %cond3A_444 {
          %sub3A = arith.constant 1 : i32
          %sub3A_563 = arith.subi %add3A_144, %sub3A : i32
          %mul3A_564 = arith.constant 2560 : i32
          %mul3A_565 = arith.muli %add3A, %mul3A_564 : i32
          %mul3A_566 = arith.constant 128 : i32
          %mul3A_567 = arith.muli %sub3A_563, %mul3A_566 : i32
          %add3A_568 = arith.addi %mul3A_565, %mul3A_567 : i32
          %dma_wait3A_569 = arith.constant 0 : i32
          %dma_wait3A_570 = tpu.memref_slice %arg8[%add3A_568, %dma_wait3A_569] : memref<81920x64xf32, #tpu.memory_space<hbm>> -> memref<128x16xf32, #tpu.memory_space<hbm>>
          %dma_wait3A_571 = arith.constant 0 : i32
          %dma_wait3A_572 = tpu.memref_slice %arg8[%add3A_568, %dma_wait3A_571] : memref<81920x64xf32, #tpu.memory_space<hbm>> -> memref<128x16xf32, #tpu.memory_space<hbm>>
          tpu.wait_dma2 semaphore(%arg23 : memref<!tpu.dma_semaphore, #tpu.memory_space<semaphore_mem>>) src(%arg13 : memref<128x16xf32, #tpu.memory_space<vmem>>) dst(%dma_wait3A_572 : memref<128x16xf32, #tpu.memory_space<hbm>>)
          %dma_wait3A_573 = arith.constant 16 : i32
          %dma_wait3A_574 = tpu.memref_slice %arg8[%add3A_568, %dma_wait3A_573] : memref<81920x64xf32, #tpu.memory_space<hbm>> -> memref<128x16xf32, #tpu.memory_space<hbm>>
          %dma_wait3A_575 = arith.constant 16 : i32
          %dma_wait3A_576 = tpu.memref_slice %arg8[%add3A_568, %dma_wait3A_575] : memref<81920x64xf32, #tpu.memory_space<hbm>> -> memref<128x16xf32, #tpu.memory_space<hbm>>
          tpu.wait_dma2 semaphore(%arg23 : memref<!tpu.dma_semaphore, #tpu.memory_space<semaphore_mem>>) src(%arg15 : memref<128x16xf32, #tpu.memory_space<vmem>>) dst(%dma_wait3A_576 : memref<128x16xf32, #tpu.memory_space<hbm>>)
          %dma_wait3A_577 = arith.constant 32 : i32
          %dma_wait3A_578 = tpu.memref_slice %arg8[%add3A_568, %dma_wait3A_577] : memref<81920x64xf32, #tpu.memory_space<hbm>> -> memref<128x32xf32, #tpu.memory_space<hbm>>
          %dma_wait3A_579 = arith.constant 32 : i32
          %dma_wait3A_580 = tpu.memref_slice %arg8[%add3A_568, %dma_wait3A_579] : memref<81920x64xf32, #tpu.memory_space<hbm>> -> memref<128x32xf32, #tpu.memory_space<hbm>>
          tpu.wait_dma2 semaphore(%arg23 : memref<!tpu.dma_semaphore, #tpu.memory_space<semaphore_mem>>) src(%arg19 : memref<128x32xf32, #tpu.memory_space<vmem>>) dst(%dma_wait3A_580 : memref<128x32xf32, #tpu.memory_space<hbm>>)
        } else {
        }
        %add3A_445 = arith.constant 1 : i32
        %add3A_446 = arith.addi %add3A_144, %add3A_445 : i32
        %mul3A_447 = arith.constant 8 : i32
        %mul3A_448 = arith.muli %add3A_446, %mul3A_447 : i32
        %add3A_449 = arith.constant 0 : i32
        %add3A_450 = arith.addi %mul3A_448, %add3A_449 : i32
        %mul3A_451 = arith.constant 8 : i32
        %mul3A_452 = arith.muli %add3A_446, %mul3A_451 : i32
        %add3A_453 = arith.constant 1 : i32
        %add3A_454 = arith.addi %mul3A_452, %add3A_453 : i32
        %mul3A_455 = arith.constant 8 : i32
        %mul3A_456 = arith.muli %add3A_446, %mul3A_455 : i32
        %add3A_457 = arith.constant 2 : i32
        %add3A_458 = arith.addi %mul3A_456, %add3A_457 : i32
        %mul3A_459 = arith.constant 8 : i32
        %mul3A_460 = arith.muli %add3A_446, %mul3A_459 : i32
        %add3A_461 = arith.constant 3 : i32
        %add3A_462 = arith.addi %mul3A_460, %add3A_461 : i32
        %mul3A_463 = arith.constant 8 : i32
        %mul3A_464 = arith.muli %add3A_446, %mul3A_463 : i32
        %add3A_465 = arith.constant 4 : i32
        %add3A_466 = arith.addi %mul3A_464, %add3A_465 : i32
        %mul3A_467 = arith.constant 8 : i32
        %mul3A_468 = arith.muli %add3A_446, %mul3A_467 : i32
        %add3A_469 = arith.constant 5 : i32
        %add3A_470 = arith.addi %mul3A_468, %add3A_469 : i32
        %mul3A_471 = arith.constant 8 : i32
        %mul3A_472 = arith.muli %add3A_446, %mul3A_471 : i32
        %add3A_473 = arith.constant 6 : i32
        %add3A_474 = arith.addi %mul3A_472, %add3A_473 : i32
        %mul3A_475 = arith.constant 8 : i32
        %mul3A_476 = arith.muli %add3A_446, %mul3A_475 : i32
        %add3A_477 = arith.constant 7 : i32
        %add3A_478 = arith.addi %mul3A_476, %add3A_477 : i32
        %dma_start3A_479 = arith.constant 0 : i32
        %dma_start3A_480 = tpu.memref_slice %arg9[%add3A_446, %dma_start3A_479] : memref<20x128xi32, #tpu.memory_space<vmem>> -> memref<1x128xi32, #tpu.memory_space<vmem>>
        %dma_start3A_481 = tpu.memref_squeeze %dma_start3A_480 : memref<1x128xi32, #tpu.memory_space<vmem>> -> memref<128xi32, #tpu.memory_space<vmem>>
        %dma_start3A_482 = arith.constant 0 : i32
        %dma_start3A_483 = arith.constant 0 : i32
        %dma_start3A_484 = tpu.memref_slice %arg5[%dma_start3A_482, %dma_start3A_483] : memref<1000001x16xf32, #tpu.memory_space<hbm>> -> memref<1000001x16xf32, #tpu.memory_space<hbm>>
        tpu.enqueue_indirect_dma source(%dma_start3A_484 : memref<1000001x16xf32, #tpu.memory_space<hbm>>) target(%arg13 : memref<128x16xf32, #tpu.memory_space<vmem>>) offsets(%dma_start3A_481 : memref<128xi32, #tpu.memory_space<vmem>>) semaphore(%arg21 : memref<!tpu.dma_semaphore, #tpu.memory_space<semaphore_mem>>)
        %dma_start3A_485 = arith.constant 0 : i32
        %dma_start3A_486 = tpu.memref_slice %arg10[%add3A_446, %dma_start3A_485] : memref<20x128xi32, #tpu.memory_space<vmem>> -> memref<1x128xi32, #tpu.memory_space<vmem>>
        %dma_start3A_487 = tpu.memref_squeeze %dma_start3A_486 : memref<1x128xi32, #tpu.memory_space<vmem>> -> memref<128xi32, #tpu.memory_space<vmem>>
        %dma_start3A_488 = arith.constant 0 : i32
        %dma_start3A_489 = arith.constant 0 : i32
        %dma_start3A_490 = tpu.memref_slice %arg6[%dma_start3A_488, %dma_start3A_489] : memref<1001x16xf32, #tpu.memory_space<hbm>> -> memref<1001x16xf32, #tpu.memory_space<hbm>>
        tpu.enqueue_indirect_dma source(%dma_start3A_490 : memref<1001x16xf32, #tpu.memory_space<hbm>>) target(%arg15 : memref<128x16xf32, #tpu.memory_space<vmem>>) offsets(%dma_start3A_487 : memref<128xi32, #tpu.memory_space<vmem>>) semaphore(%arg21 : memref<!tpu.dma_semaphore, #tpu.memory_space<semaphore_mem>>)
        %dma_start3A_491 = arith.constant 0 : i32
        %dma_start3A_492 = arith.constant 0 : i32
        %dma_start3A_493 = tpu.memref_slice %arg17[%dma_start3A_491, %dma_start3A_492] : memref<1024x32xf32, #tpu.memory_space<vmem>> -> memref<128x32xf32, #tpu.memory_space<vmem>>
        %dma_start3A_494 = arith.constant 0 : i32
        %dma_start3A_495 = tpu.memref_slice %arg11[%add3A_450, %dma_start3A_494] : memref<160x128xi32, #tpu.memory_space<vmem>> -> memref<1x128xi32, #tpu.memory_space<vmem>>
        %dma_start3A_496 = tpu.memref_squeeze %dma_start3A_495 : memref<1x128xi32, #tpu.memory_space<vmem>> -> memref<128xi32, #tpu.memory_space<vmem>>
        %dma_start3A_497 = arith.constant 0 : i32
        %dma_start3A_498 = arith.constant 0 : i32
        %dma_start3A_499 = tpu.memref_slice %arg7[%dma_start3A_497, %dma_start3A_498] : memref<10000x32xf32, #tpu.memory_space<hbm>> -> memref<10000x32xf32, #tpu.memory_space<hbm>>
        tpu.enqueue_indirect_dma source(%dma_start3A_499 : memref<10000x32xf32, #tpu.memory_space<hbm>>) target(%dma_start3A_493 : memref<128x32xf32, #tpu.memory_space<vmem>>) offsets(%dma_start3A_496 : memref<128xi32, #tpu.memory_space<vmem>>) semaphore(%arg21 : memref<!tpu.dma_semaphore, #tpu.memory_space<semaphore_mem>>)
        %dma_start3A_500 = arith.constant 128 : i32
        %dma_start3A_501 = arith.constant 0 : i32
        %dma_start3A_502 = tpu.memref_slice %arg17[%dma_start3A_500, %dma_start3A_501] : memref<1024x32xf32, #tpu.memory_space<vmem>> -> memref<128x32xf32, #tpu.memory_space<vmem>>
        %dma_start3A_503 = arith.constant 0 : i32
        %dma_start3A_504 = tpu.memref_slice %arg11[%add3A_454, %dma_start3A_503] : memref<160x128xi32, #tpu.memory_space<vmem>> -> memref<1x128xi32, #tpu.memory_space<vmem>>
        %dma_start3A_505 = tpu.memref_squeeze %dma_start3A_504 : memref<1x128xi32, #tpu.memory_space<vmem>> -> memref<128xi32, #tpu.memory_space<vmem>>
        %dma_start3A_506 = arith.constant 0 : i32
        %dma_start3A_507 = arith.constant 0 : i32
        %dma_start3A_508 = tpu.memref_slice %arg7[%dma_start3A_506, %dma_start3A_507] : memref<10000x32xf32, #tpu.memory_space<hbm>> -> memref<10000x32xf32, #tpu.memory_space<hbm>>
        tpu.enqueue_indirect_dma source(%dma_start3A_508 : memref<10000x32xf32, #tpu.memory_space<hbm>>) target(%dma_start3A_502 : memref<128x32xf32, #tpu.memory_space<vmem>>) offsets(%dma_start3A_505 : memref<128xi32, #tpu.memory_space<vmem>>) semaphore(%arg21 : memref<!tpu.dma_semaphore, #tpu.memory_space<semaphore_mem>>)
        %dma_start3A_509 = arith.constant 256 : i32
        %dma_start3A_510 = arith.constant 0 : i32
        %dma_start3A_511 = tpu.memref_slice %arg17[%dma_start3A_509, %dma_start3A_510] : memref<1024x32xf32, #tpu.memory_space<vmem>> -> memref<128x32xf32, #tpu.memory_space<vmem>>
        %dma_start3A_512 = arith.constant 0 : i32
        %dma_start3A_513 = tpu.memref_slice %arg11[%add3A_458, %dma_start3A_512] : memref<160x128xi32, #tpu.memory_space<vmem>> -> memref<1x128xi32, #tpu.memory_space<vmem>>
        %dma_start3A_514 = tpu.memref_squeeze %dma_start3A_513 : memref<1x128xi32, #tpu.memory_space<vmem>> -> memref<128xi32, #tpu.memory_space<vmem>>
        %dma_start3A_515 = arith.constant 0 : i32
        %dma_start3A_516 = arith.constant 0 : i32
        %dma_start3A_517 = tpu.memref_slice %arg7[%dma_start3A_515, %dma_start3A_516] : memref<10000x32xf32, #tpu.memory_space<hbm>> -> memref<10000x32xf32, #tpu.memory_space<hbm>>
        tpu.enqueue_indirect_dma source(%dma_start3A_517 : memref<10000x32xf32, #tpu.memory_space<hbm>>) target(%dma_start3A_511 : memref<128x32xf32, #tpu.memory_space<vmem>>) offsets(%dma_start3A_514 : memref<128xi32, #tpu.memory_space<vmem>>) semaphore(%arg21 : memref<!tpu.dma_semaphore, #tpu.memory_space<semaphore_mem>>)
        %dma_start3A_518 = arith.constant 384 : i32
        %dma_start3A_519 = arith.constant 0 : i32
        %dma_start3A_520 = tpu.memref_slice %arg17[%dma_start3A_518, %dma_start3A_519] : memref<1024x32xf32, #tpu.memory_space<vmem>> -> memref<128x32xf32, #tpu.memory_space<vmem>>
        %dma_start3A_521 = arith.constant 0 : i32
        %dma_start3A_522 = tpu.memref_slice %arg11[%add3A_462, %dma_start3A_521] : memref<160x128xi32, #tpu.memory_space<vmem>> -> memref<1x128xi32, #tpu.memory_space<vmem>>
        %dma_start3A_523 = tpu.memref_squeeze %dma_start3A_522 : memref<1x128xi32, #tpu.memory_space<vmem>> -> memref<128xi32, #tpu.memory_space<vmem>>
        %dma_start3A_524 = arith.constant 0 : i32
        %dma_start3A_525 = arith.constant 0 : i32
        %dma_start3A_526 = tpu.memref_slice %arg7[%dma_start3A_524, %dma_start3A_525] : memref<10000x32xf32, #tpu.memory_space<hbm>> -> memref<10000x32xf32, #tpu.memory_space<hbm>>
        tpu.enqueue_indirect_dma source(%dma_start3A_526 : memref<10000x32xf32, #tpu.memory_space<hbm>>) target(%dma_start3A_520 : memref<128x32xf32, #tpu.memory_space<vmem>>) offsets(%dma_start3A_523 : memref<128xi32, #tpu.memory_space<vmem>>) semaphore(%arg21 : memref<!tpu.dma_semaphore, #tpu.memory_space<semaphore_mem>>)
        %dma_start3A_527 = arith.constant 512 : i32
        %dma_start3A_528 = arith.constant 0 : i32
        %dma_start3A_529 = tpu.memref_slice %arg17[%dma_start3A_527, %dma_start3A_528] : memref<1024x32xf32, #tpu.memory_space<vmem>> -> memref<128x32xf32, #tpu.memory_space<vmem>>
        %dma_start3A_530 = arith.constant 0 : i32
        %dma_start3A_531 = tpu.memref_slice %arg11[%add3A_466, %dma_start3A_530] : memref<160x128xi32, #tpu.memory_space<vmem>> -> memref<1x128xi32, #tpu.memory_space<vmem>>
        %dma_start3A_532 = tpu.memref_squeeze %dma_start3A_531 : memref<1x128xi32, #tpu.memory_space<vmem>> -> memref<128xi32, #tpu.memory_space<vmem>>
        %dma_start3A_533 = arith.constant 0 : i32
        %dma_start3A_534 = arith.constant 0 : i32
        %dma_start3A_535 = tpu.memref_slice %arg7[%dma_start3A_533, %dma_start3A_534] : memref<10000x32xf32, #tpu.memory_space<hbm>> -> memref<10000x32xf32, #tpu.memory_space<hbm>>
        tpu.enqueue_indirect_dma source(%dma_start3A_535 : memref<10000x32xf32, #tpu.memory_space<hbm>>) target(%dma_start3A_529 : memref<128x32xf32, #tpu.memory_space<vmem>>) offsets(%dma_start3A_532 : memref<128xi32, #tpu.memory_space<vmem>>) semaphore(%arg21 : memref<!tpu.dma_semaphore, #tpu.memory_space<semaphore_mem>>)
        %dma_start3A_536 = arith.constant 640 : i32
        %dma_start3A_537 = arith.constant 0 : i32
        %dma_start3A_538 = tpu.memref_slice %arg17[%dma_start3A_536, %dma_start3A_537] : memref<1024x32xf32, #tpu.memory_space<vmem>> -> memref<128x32xf32, #tpu.memory_space<vmem>>
        %dma_start3A_539 = arith.constant 0 : i32
        %dma_start3A_540 = tpu.memref_slice %arg11[%add3A_470, %dma_start3A_539] : memref<160x128xi32, #tpu.memory_space<vmem>> -> memref<1x128xi32, #tpu.memory_space<vmem>>
        %dma_start3A_541 = tpu.memref_squeeze %dma_start3A_540 : memref<1x128xi32, #tpu.memory_space<vmem>> -> memref<128xi32, #tpu.memory_space<vmem>>
        %dma_start3A_542 = arith.constant 0 : i32
        %dma_start3A_543 = arith.constant 0 : i32
        %dma_start3A_544 = tpu.memref_slice %arg7[%dma_start3A_542, %dma_start3A_543] : memref<10000x32xf32, #tpu.memory_space<hbm>> -> memref<10000x32xf32, #tpu.memory_space<hbm>>
        tpu.enqueue_indirect_dma source(%dma_start3A_544 : memref<10000x32xf32, #tpu.memory_space<hbm>>) target(%dma_start3A_538 : memref<128x32xf32, #tpu.memory_space<vmem>>) offsets(%dma_start3A_541 : memref<128xi32, #tpu.memory_space<vmem>>) semaphore(%arg21 : memref<!tpu.dma_semaphore, #tpu.memory_space<semaphore_mem>>)
        %dma_start3A_545 = arith.constant 768 : i32
        %dma_start3A_546 = arith.constant 0 : i32
        %dma_start3A_547 = tpu.memref_slice %arg17[%dma_start3A_545, %dma_start3A_546] : memref<1024x32xf32, #tpu.memory_space<vmem>> -> memref<128x32xf32, #tpu.memory_space<vmem>>
        %dma_start3A_548 = arith.constant 0 : i32
        %dma_start3A_549 = tpu.memref_slice %arg11[%add3A_474, %dma_start3A_548] : memref<160x128xi32, #tpu.memory_space<vmem>> -> memref<1x128xi32, #tpu.memory_space<vmem>>
        %dma_start3A_550 = tpu.memref_squeeze %dma_start3A_549 : memref<1x128xi32, #tpu.memory_space<vmem>> -> memref<128xi32, #tpu.memory_space<vmem>>
        %dma_start3A_551 = arith.constant 0 : i32
        %dma_start3A_552 = arith.constant 0 : i32
        %dma_start3A_553 = tpu.memref_slice %arg7[%dma_start3A_551, %dma_start3A_552] : memref<10000x32xf32, #tpu.memory_space<hbm>> -> memref<10000x32xf32, #tpu.memory_space<hbm>>
        tpu.enqueue_indirect_dma source(%dma_start3A_553 : memref<10000x32xf32, #tpu.memory_space<hbm>>) target(%dma_start3A_547 : memref<128x32xf32, #tpu.memory_space<vmem>>) offsets(%dma_start3A_550 : memref<128xi32, #tpu.memory_space<vmem>>) semaphore(%arg21 : memref<!tpu.dma_semaphore, #tpu.memory_space<semaphore_mem>>)
        %dma_start3A_554 = arith.constant 896 : i32
        %dma_start3A_555 = arith.constant 0 : i32
        %dma_start3A_556 = tpu.memref_slice %arg17[%dma_start3A_554, %dma_start3A_555] : memref<1024x32xf32, #tpu.memory_space<vmem>> -> memref<128x32xf32, #tpu.memory_space<vmem>>
        %dma_start3A_557 = arith.constant 0 : i32
        %dma_start3A_558 = tpu.memref_slice %arg11[%add3A_478, %dma_start3A_557] : memref<160x128xi32, #tpu.memory_space<vmem>> -> memref<1x128xi32, #tpu.memory_space<vmem>>
        %dma_start3A_559 = tpu.memref_squeeze %dma_start3A_558 : memref<1x128xi32, #tpu.memory_space<vmem>> -> memref<128xi32, #tpu.memory_space<vmem>>
        %dma_start3A_560 = arith.constant 0 : i32
        %dma_start3A_561 = arith.constant 0 : i32
        %dma_start3A_562 = tpu.memref_slice %arg7[%dma_start3A_560, %dma_start3A_561] : memref<10000x32xf32, #tpu.memory_space<hbm>> -> memref<10000x32xf32, #tpu.memory_space<hbm>>
        tpu.enqueue_indirect_dma source(%dma_start3A_562 : memref<10000x32xf32, #tpu.memory_space<hbm>>) target(%dma_start3A_556 : memref<128x32xf32, #tpu.memory_space<vmem>>) offsets(%dma_start3A_559 : memref<128xi32, #tpu.memory_space<vmem>>) semaphore(%arg21 : memref<!tpu.dma_semaphore, #tpu.memory_space<semaphore_mem>>)
      } else {
      }
      %mul3A_149 = arith.constant 8 : i32
      %mul3A_150 = arith.muli %add3A_144, %mul3A_149 : i32
      %add3A_151 = arith.constant 0 : i32
      %add3A_152 = arith.addi %mul3A_150, %add3A_151 : i32
      %mul3A_153 = arith.constant 8 : i32
      %mul3A_154 = arith.muli %add3A_144, %mul3A_153 : i32
      %add3A_155 = arith.constant 1 : i32
      %add3A_156 = arith.addi %mul3A_154, %add3A_155 : i32
      %mul3A_157 = arith.constant 8 : i32
      %mul3A_158 = arith.muli %add3A_144, %mul3A_157 : i32
      %add3A_159 = arith.constant 2 : i32
      %add3A_160 = arith.addi %mul3A_158, %add3A_159 : i32
      %mul3A_161 = arith.constant 8 : i32
      %mul3A_162 = arith.muli %add3A_144, %mul3A_161 : i32
      %add3A_163 = arith.constant 3 : i32
      %add3A_164 = arith.addi %mul3A_162, %add3A_163 : i32
      %mul3A_165 = arith.constant 8 : i32
      %mul3A_166 = arith.muli %add3A_144, %mul3A_165 : i32
      %add3A_167 = arith.constant 4 : i32
      %add3A_168 = arith.addi %mul3A_166, %add3A_167 : i32
      %mul3A_169 = arith.constant 8 : i32
      %mul3A_170 = arith.muli %add3A_144, %mul3A_169 : i32
      %add3A_171 = arith.constant 5 : i32
      %add3A_172 = arith.addi %mul3A_170, %add3A_171 : i32
      %mul3A_173 = arith.constant 8 : i32
      %mul3A_174 = arith.muli %add3A_144, %mul3A_173 : i32
      %add3A_175 = arith.constant 6 : i32
      %add3A_176 = arith.addi %mul3A_174, %add3A_175 : i32
      %mul3A_177 = arith.constant 8 : i32
      %mul3A_178 = arith.muli %add3A_144, %mul3A_177 : i32
      %add3A_179 = arith.constant 7 : i32
      %add3A_180 = arith.addi %mul3A_178, %add3A_179 : i32
      %dma_wait3A_181 = arith.constant 0 : i32
      %dma_wait3A_182 = tpu.memref_slice %arg9[%add3A_144, %dma_wait3A_181] : memref<20x128xi32, #tpu.memory_space<vmem>> -> memref<1x128xi32, #tpu.memory_space<vmem>>
      %dma_wait3A_183 = tpu.memref_squeeze %dma_wait3A_182 : memref<1x128xi32, #tpu.memory_space<vmem>> -> memref<128xi32, #tpu.memory_space<vmem>>
      %dma_wait3A_184 = arith.constant 0 : i32
      %dma_wait3A_185 = arith.constant 0 : i32
      %dma_wait3A_186 = tpu.memref_slice %arg5[%dma_wait3A_184, %dma_wait3A_185] : memref<1000001x16xf32, #tpu.memory_space<hbm>> -> memref<1000001x16xf32, #tpu.memory_space<hbm>>
      tpu.wait_indirect_dma semaphore(%arg20 : memref<!tpu.dma_semaphore, #tpu.memory_space<semaphore_mem>>) src(%dma_wait3A_186 : memref<1000001x16xf32, #tpu.memory_space<hbm>>) dst(%arg12 : memref<128x16xf32, #tpu.memory_space<vmem>>)
      %dma_wait3A_187 = arith.constant 0 : i32
      %dma_wait3A_188 = tpu.memref_slice %arg10[%add3A_144, %dma_wait3A_187] : memref<20x128xi32, #tpu.memory_space<vmem>> -> memref<1x128xi32, #tpu.memory_space<vmem>>
      %dma_wait3A_189 = tpu.memref_squeeze %dma_wait3A_188 : memref<1x128xi32, #tpu.memory_space<vmem>> -> memref<128xi32, #tpu.memory_space<vmem>>
      %dma_wait3A_190 = arith.constant 0 : i32
      %dma_wait3A_191 = arith.constant 0 : i32
      %dma_wait3A_192 = tpu.memref_slice %arg6[%dma_wait3A_190, %dma_wait3A_191] : memref<1001x16xf32, #tpu.memory_space<hbm>> -> memref<1001x16xf32, #tpu.memory_space<hbm>>
      tpu.wait_indirect_dma semaphore(%arg20 : memref<!tpu.dma_semaphore, #tpu.memory_space<semaphore_mem>>) src(%dma_wait3A_192 : memref<1001x16xf32, #tpu.memory_space<hbm>>) dst(%arg14 : memref<128x16xf32, #tpu.memory_space<vmem>>)
      %dma_wait3A_193 = arith.constant 0 : i32
      %dma_wait3A_194 = arith.constant 0 : i32
      %dma_wait3A_195 = tpu.memref_slice %arg16[%dma_wait3A_193, %dma_wait3A_194] : memref<1024x32xf32, #tpu.memory_space<vmem>> -> memref<128x32xf32, #tpu.memory_space<vmem>>
      %dma_wait3A_196 = arith.constant 0 : i32
      %dma_wait3A_197 = tpu.memref_slice %arg11[%add3A_152, %dma_wait3A_196] : memref<160x128xi32, #tpu.memory_space<vmem>> -> memref<1x128xi32, #tpu.memory_space<vmem>>
      %dma_wait3A_198 = tpu.memref_squeeze %dma_wait3A_197 : memref<1x128xi32, #tpu.memory_space<vmem>> -> memref<128xi32, #tpu.memory_space<vmem>>
      %dma_wait3A_199 = arith.constant 0 : i32
      %dma_wait3A_200 = arith.constant 0 : i32
      %dma_wait3A_201 = tpu.memref_slice %arg7[%dma_wait3A_199, %dma_wait3A_200] : memref<10000x32xf32, #tpu.memory_space<hbm>> -> memref<10000x32xf32, #tpu.memory_space<hbm>>
      tpu.wait_indirect_dma semaphore(%arg20 : memref<!tpu.dma_semaphore, #tpu.memory_space<semaphore_mem>>) src(%dma_wait3A_201 : memref<10000x32xf32, #tpu.memory_space<hbm>>) dst(%dma_wait3A_195 : memref<128x32xf32, #tpu.memory_space<vmem>>)
      %dma_wait3A_202 = arith.constant 128 : i32
      %dma_wait3A_203 = arith.constant 0 : i32
      %dma_wait3A_204 = tpu.memref_slice %arg16[%dma_wait3A_202, %dma_wait3A_203] : memref<1024x32xf32, #tpu.memory_space<vmem>> -> memref<128x32xf32, #tpu.memory_space<vmem>>
      %dma_wait3A_205 = arith.constant 0 : i32
      %dma_wait3A_206 = tpu.memref_slice %arg11[%add3A_156, %dma_wait3A_205] : memref<160x128xi32, #tpu.memory_space<vmem>> -> memref<1x128xi32, #tpu.memory_space<vmem>>
      %dma_wait3A_207 = tpu.memref_squeeze %dma_wait3A_206 : memref<1x128xi32, #tpu.memory_space<vmem>> -> memref<128xi32, #tpu.memory_space<vmem>>
      %dma_wait3A_208 = arith.constant 0 : i32
      %dma_wait3A_209 = arith.constant 0 : i32
      %dma_wait3A_210 = tpu.memref_slice %arg7[%dma_wait3A_208, %dma_wait3A_209] : memref<10000x32xf32, #tpu.memory_space<hbm>> -> memref<10000x32xf32, #tpu.memory_space<hbm>>
      tpu.wait_indirect_dma semaphore(%arg20 : memref<!tpu.dma_semaphore, #tpu.memory_space<semaphore_mem>>) src(%dma_wait3A_210 : memref<10000x32xf32, #tpu.memory_space<hbm>>) dst(%dma_wait3A_204 : memref<128x32xf32, #tpu.memory_space<vmem>>)
      %dma_wait3A_211 = arith.constant 256 : i32
      %dma_wait3A_212 = arith.constant 0 : i32
      %dma_wait3A_213 = tpu.memref_slice %arg16[%dma_wait3A_211, %dma_wait3A_212] : memref<1024x32xf32, #tpu.memory_space<vmem>> -> memref<128x32xf32, #tpu.memory_space<vmem>>
      %dma_wait3A_214 = arith.constant 0 : i32
      %dma_wait3A_215 = tpu.memref_slice %arg11[%add3A_160, %dma_wait3A_214] : memref<160x128xi32, #tpu.memory_space<vmem>> -> memref<1x128xi32, #tpu.memory_space<vmem>>
      %dma_wait3A_216 = tpu.memref_squeeze %dma_wait3A_215 : memref<1x128xi32, #tpu.memory_space<vmem>> -> memref<128xi32, #tpu.memory_space<vmem>>
      %dma_wait3A_217 = arith.constant 0 : i32
      %dma_wait3A_218 = arith.constant 0 : i32
      %dma_wait3A_219 = tpu.memref_slice %arg7[%dma_wait3A_217, %dma_wait3A_218] : memref<10000x32xf32, #tpu.memory_space<hbm>> -> memref<10000x32xf32, #tpu.memory_space<hbm>>
      tpu.wait_indirect_dma semaphore(%arg20 : memref<!tpu.dma_semaphore, #tpu.memory_space<semaphore_mem>>) src(%dma_wait3A_219 : memref<10000x32xf32, #tpu.memory_space<hbm>>) dst(%dma_wait3A_213 : memref<128x32xf32, #tpu.memory_space<vmem>>)
      %dma_wait3A_220 = arith.constant 384 : i32
      %dma_wait3A_221 = arith.constant 0 : i32
      %dma_wait3A_222 = tpu.memref_slice %arg16[%dma_wait3A_220, %dma_wait3A_221] : memref<1024x32xf32, #tpu.memory_space<vmem>> -> memref<128x32xf32, #tpu.memory_space<vmem>>
      %dma_wait3A_223 = arith.constant 0 : i32
      %dma_wait3A_224 = tpu.memref_slice %arg11[%add3A_164, %dma_wait3A_223] : memref<160x128xi32, #tpu.memory_space<vmem>> -> memref<1x128xi32, #tpu.memory_space<vmem>>
      %dma_wait3A_225 = tpu.memref_squeeze %dma_wait3A_224 : memref<1x128xi32, #tpu.memory_space<vmem>> -> memref<128xi32, #tpu.memory_space<vmem>>
      %dma_wait3A_226 = arith.constant 0 : i32
      %dma_wait3A_227 = arith.constant 0 : i32
      %dma_wait3A_228 = tpu.memref_slice %arg7[%dma_wait3A_226, %dma_wait3A_227] : memref<10000x32xf32, #tpu.memory_space<hbm>> -> memref<10000x32xf32, #tpu.memory_space<hbm>>
      tpu.wait_indirect_dma semaphore(%arg20 : memref<!tpu.dma_semaphore, #tpu.memory_space<semaphore_mem>>) src(%dma_wait3A_228 : memref<10000x32xf32, #tpu.memory_space<hbm>>) dst(%dma_wait3A_222 : memref<128x32xf32, #tpu.memory_space<vmem>>)
      %dma_wait3A_229 = arith.constant 512 : i32
      %dma_wait3A_230 = arith.constant 0 : i32
      %dma_wait3A_231 = tpu.memref_slice %arg16[%dma_wait3A_229, %dma_wait3A_230] : memref<1024x32xf32, #tpu.memory_space<vmem>> -> memref<128x32xf32, #tpu.memory_space<vmem>>
      %dma_wait3A_232 = arith.constant 0 : i32
      %dma_wait3A_233 = tpu.memref_slice %arg11[%add3A_168, %dma_wait3A_232] : memref<160x128xi32, #tpu.memory_space<vmem>> -> memref<1x128xi32, #tpu.memory_space<vmem>>
      %dma_wait3A_234 = tpu.memref_squeeze %dma_wait3A_233 : memref<1x128xi32, #tpu.memory_space<vmem>> -> memref<128xi32, #tpu.memory_space<vmem>>
      %dma_wait3A_235 = arith.constant 0 : i32
      %dma_wait3A_236 = arith.constant 0 : i32
      %dma_wait3A_237 = tpu.memref_slice %arg7[%dma_wait3A_235, %dma_wait3A_236] : memref<10000x32xf32, #tpu.memory_space<hbm>> -> memref<10000x32xf32, #tpu.memory_space<hbm>>
      tpu.wait_indirect_dma semaphore(%arg20 : memref<!tpu.dma_semaphore, #tpu.memory_space<semaphore_mem>>) src(%dma_wait3A_237 : memref<10000x32xf32, #tpu.memory_space<hbm>>) dst(%dma_wait3A_231 : memref<128x32xf32, #tpu.memory_space<vmem>>)
      %dma_wait3A_238 = arith.constant 640 : i32
      %dma_wait3A_239 = arith.constant 0 : i32
      %dma_wait3A_240 = tpu.memref_slice %arg16[%dma_wait3A_238, %dma_wait3A_239] : memref<1024x32xf32, #tpu.memory_space<vmem>> -> memref<128x32xf32, #tpu.memory_space<vmem>>
      %dma_wait3A_241 = arith.constant 0 : i32
      %dma_wait3A_242 = tpu.memref_slice %arg11[%add3A_172, %dma_wait3A_241] : memref<160x128xi32, #tpu.memory_space<vmem>> -> memref<1x128xi32, #tpu.memory_space<vmem>>
      %dma_wait3A_243 = tpu.memref_squeeze %dma_wait3A_242 : memref<1x128xi32, #tpu.memory_space<vmem>> -> memref<128xi32, #tpu.memory_space<vmem>>
      %dma_wait3A_244 = arith.constant 0 : i32
      %dma_wait3A_245 = arith.constant 0 : i32
      %dma_wait3A_246 = tpu.memref_slice %arg7[%dma_wait3A_244, %dma_wait3A_245] : memref<10000x32xf32, #tpu.memory_space<hbm>> -> memref<10000x32xf32, #tpu.memory_space<hbm>>
      tpu.wait_indirect_dma semaphore(%arg20 : memref<!tpu.dma_semaphore, #tpu.memory_space<semaphore_mem>>) src(%dma_wait3A_246 : memref<10000x32xf32, #tpu.memory_space<hbm>>) dst(%dma_wait3A_240 : memref<128x32xf32, #tpu.memory_space<vmem>>)
      %dma_wait3A_247 = arith.constant 768 : i32
      %dma_wait3A_248 = arith.constant 0 : i32
      %dma_wait3A_249 = tpu.memref_slice %arg16[%dma_wait3A_247, %dma_wait3A_248] : memref<1024x32xf32, #tpu.memory_space<vmem>> -> memref<128x32xf32, #tpu.memory_space<vmem>>
      %dma_wait3A_250 = arith.constant 0 : i32
      %dma_wait3A_251 = tpu.memref_slice %arg11[%add3A_176, %dma_wait3A_250] : memref<160x128xi32, #tpu.memory_space<vmem>> -> memref<1x128xi32, #tpu.memory_space<vmem>>
      %dma_wait3A_252 = tpu.memref_squeeze %dma_wait3A_251 : memref<1x128xi32, #tpu.memory_space<vmem>> -> memref<128xi32, #tpu.memory_space<vmem>>
      %dma_wait3A_253 = arith.constant 0 : i32
      %dma_wait3A_254 = arith.constant 0 : i32
      %dma_wait3A_255 = tpu.memref_slice %arg7[%dma_wait3A_253, %dma_wait3A_254] : memref<10000x32xf32, #tpu.memory_space<hbm>> -> memref<10000x32xf32, #tpu.memory_space<hbm>>
      tpu.wait_indirect_dma semaphore(%arg20 : memref<!tpu.dma_semaphore, #tpu.memory_space<semaphore_mem>>) src(%dma_wait3A_255 : memref<10000x32xf32, #tpu.memory_space<hbm>>) dst(%dma_wait3A_249 : memref<128x32xf32, #tpu.memory_space<vmem>>)
      %dma_wait3A_256 = arith.constant 896 : i32
      %dma_wait3A_257 = arith.constant 0 : i32
      %dma_wait3A_258 = tpu.memref_slice %arg16[%dma_wait3A_256, %dma_wait3A_257] : memref<1024x32xf32, #tpu.memory_space<vmem>> -> memref<128x32xf32, #tpu.memory_space<vmem>>
      %dma_wait3A_259 = arith.constant 0 : i32
      %dma_wait3A_260 = tpu.memref_slice %arg11[%add3A_180, %dma_wait3A_259] : memref<160x128xi32, #tpu.memory_space<vmem>> -> memref<1x128xi32, #tpu.memory_space<vmem>>
      %dma_wait3A_261 = tpu.memref_squeeze %dma_wait3A_260 : memref<1x128xi32, #tpu.memory_space<vmem>> -> memref<128xi32, #tpu.memory_space<vmem>>
      %dma_wait3A_262 = arith.constant 0 : i32
      %dma_wait3A_263 = arith.constant 0 : i32
      %dma_wait3A_264 = tpu.memref_slice %arg7[%dma_wait3A_262, %dma_wait3A_263] : memref<10000x32xf32, #tpu.memory_space<hbm>> -> memref<10000x32xf32, #tpu.memory_space<hbm>>
      tpu.wait_indirect_dma semaphore(%arg20 : memref<!tpu.dma_semaphore, #tpu.memory_space<semaphore_mem>>) src(%dma_wait3A_264 : memref<10000x32xf32, #tpu.memory_space<hbm>>) dst(%dma_wait3A_258 : memref<128x32xf32, #tpu.memory_space<vmem>>)
      %scan3A_265 = arith.constant 0 : i32
      %scan3A_266 = arith.constant 0 : i32
      %scan3A_267 = arith.constant 128 : i32
      %scan3A_268 = arith.addi %scan3A_266, %scan3A_267 : i32
      %scan3A_269 = arith.constant 2 : i32
      %scan3A_270 = scf.for %scan3A_441 = %scan3A_266 to %scan3A_268 step %scan3A_269 iter_args(%scan3A_442 = %scan3A_265) -> (i32)  : i32 {
        %mul3A_443 = arith.constant 8 : i32
        %mul3A_444 = arith.muli %scan3A_441, %mul3A_443 : i32
        %get3A = arith.index_cast %mul3A_444 : i32 to index
        %get3A_445 = arith.constant 0 : index
        %get3A_446 = tpu.vector_load %arg16[%get3A, %get3A_445] {strides = array<i32>} : memref<1024x32xf32, #tpu.memory_space<vmem>>, vector<1x16xf32>,
        %get3A_447 = vector.shape_cast %get3A_446 : vector<1x16xf32> to vector<16xf32>
        %mul3A_448 = arith.constant 8 : i32
        %mul3A_449 = arith.muli %scan3A_441, %mul3A_448 : i32
        %get3A_450 = arith.index_cast %mul3A_449 : i32 to index
        %get3A_451 = arith.constant 16 : index
        %get3A_452 = tpu.vector_load %arg16[%get3A_450, %get3A_451] {strides = array<i32>} : memref<1024x32xf32, #tpu.memory_space<vmem>>, vector<1x16xf32>,
        %get3A_453 = vector.shape_cast %get3A_452 : vector<1x16xf32> to vector<16xf32>
        %mul3A_454 = arith.constant 8 : i32
        %mul3A_455 = arith.muli %scan3A_441, %mul3A_454 : i32
        %add3A_456 = arith.constant 1 : i32
        %add3A_457 = arith.addi %mul3A_455, %add3A_456 : i32
        %get3A_458 = arith.index_cast %add3A_457 : i32 to index
        %get3A_459 = arith.constant 0 : index
        %get3A_460 = tpu.vector_load %arg16[%get3A_458, %get3A_459] {strides = array<i32>} : memref<1024x32xf32, #tpu.memory_space<vmem>>, vector<1x16xf32>,
        %get3A_461 = vector.shape_cast %get3A_460 : vector<1x16xf32> to vector<16xf32>
        %add3A_462 = arith.addf %get3A_447, %get3A_461 : vector<16xf32>
        %mul3A_463 = arith.constant 8 : i32
        %mul3A_464 = arith.muli %scan3A_441, %mul3A_463 : i32
        %add3A_465 = arith.constant 1 : i32
        %add3A_466 = arith.addi %mul3A_464, %add3A_465 : i32
        %get3A_467 = arith.index_cast %add3A_466 : i32 to index
        %get3A_468 = arith.constant 16 : index
        %get3A_469 = tpu.vector_load %arg16[%get3A_467, %get3A_468] {strides = array<i32>} : memref<1024x32xf32, #tpu.memory_space<vmem>>, vector<1x16xf32>,
        %get3A_470 = vector.shape_cast %get3A_469 : vector<1x16xf32> to vector<16xf32>
        %add3A_471 = arith.addf %get3A_453, %get3A_470 : vector<16xf32>
        %mul3A_472 = arith.constant 8 : i32
        %mul3A_473 = arith.muli %scan3A_441, %mul3A_472 : i32
        %add3A_474 = arith.constant 2 : i32
        %add3A_475 = arith.addi %mul3A_473, %add3A_474 : i32
        %get3A_476 = arith.index_cast %add3A_475 : i32 to index
        %get3A_477 = arith.constant 0 : index
        %get3A_478 = tpu.vector_load %arg16[%get3A_476, %get3A_477] {strides = array<i32>} : memref<1024x32xf32, #tpu.memory_space<vmem>>, vector<1x16xf32>,
        %get3A_479 = vector.shape_cast %get3A_478 : vector<1x16xf32> to vector<16xf32>
        %add3A_480 = arith.addf %add3A_462, %get3A_479 : vector<16xf32>
        %mul3A_481 = arith.constant 8 : i32
        %mul3A_482 = arith.muli %scan3A_441, %mul3A_481 : i32
        %add3A_483 = arith.constant 2 : i32
        %add3A_484 = arith.addi %mul3A_482, %add3A_483 : i32
        %get3A_485 = arith.index_cast %add3A_484 : i32 to index
        %get3A_486 = arith.constant 16 : index
        %get3A_487 = tpu.vector_load %arg16[%get3A_485, %get3A_486] {strides = array<i32>} : memref<1024x32xf32, #tpu.memory_space<vmem>>, vector<1x16xf32>,
        %get3A_488 = vector.shape_cast %get3A_487 : vector<1x16xf32> to vector<16xf32>
        %add3A_489 = arith.addf %add3A_471, %get3A_488 : vector<16xf32>
        %mul3A_490 = arith.constant 8 : i32
        %mul3A_491 = arith.muli %scan3A_441, %mul3A_490 : i32
        %add3A_492 = arith.constant 3 : i32
        %add3A_493 = arith.addi %mul3A_491, %add3A_492 : i32
        %get3A_494 = arith.index_cast %add3A_493 : i32 to index
        %get3A_495 = arith.constant 0 : index
        %get3A_496 = tpu.vector_load %arg16[%get3A_494, %get3A_495] {strides = array<i32>} : memref<1024x32xf32, #tpu.memory_space<vmem>>, vector<1x16xf32>,
        %get3A_497 = vector.shape_cast %get3A_496 : vector<1x16xf32> to vector<16xf32>
        %add3A_498 = arith.addf %add3A_480, %get3A_497 : vector<16xf32>
        %mul3A_499 = arith.constant 8 : i32
        %mul3A_500 = arith.muli %scan3A_441, %mul3A_499 : i32
        %add3A_501 = arith.constant 3 : i32
        %add3A_502 = arith.addi %mul3A_500, %add3A_501 : i32
        %get3A_503 = arith.index_cast %add3A_502 : i32 to index
        %get3A_504 = arith.constant 16 : index
        %get3A_505 = tpu.vector_load %arg16[%get3A_503, %get3A_504] {strides = array<i32>} : memref<1024x32xf32, #tpu.memory_space<vmem>>, vector<1x16xf32>,
        %get3A_506 = vector.shape_cast %get3A_505 : vector<1x16xf32> to vector<16xf32>
        %add3A_507 = arith.addf %add3A_489, %get3A_506 : vector<16xf32>
        %mul3A_508 = arith.constant 8 : i32
        %mul3A_509 = arith.muli %scan3A_441, %mul3A_508 : i32
        %add3A_510 = arith.constant 4 : i32
        %add3A_511 = arith.addi %mul3A_509, %add3A_510 : i32
        %get3A_512 = arith.index_cast %add3A_511 : i32 to index
        %get3A_513 = arith.constant 0 : index
        %get3A_514 = tpu.vector_load %arg16[%get3A_512, %get3A_513] {strides = array<i32>} : memref<1024x32xf32, #tpu.memory_space<vmem>>, vector<1x16xf32>,
        %get3A_515 = vector.shape_cast %get3A_514 : vector<1x16xf32> to vector<16xf32>
        %add3A_516 = arith.addf %add3A_498, %get3A_515 : vector<16xf32>
        %mul3A_517 = arith.constant 8 : i32
        %mul3A_518 = arith.muli %scan3A_441, %mul3A_517 : i32
        %add3A_519 = arith.constant 4 : i32
        %add3A_520 = arith.addi %mul3A_518, %add3A_519 : i32
        %get3A_521 = arith.index_cast %add3A_520 : i32 to index
        %get3A_522 = arith.constant 16 : index
        %get3A_523 = tpu.vector_load %arg16[%get3A_521, %get3A_522] {strides = array<i32>} : memref<1024x32xf32, #tpu.memory_space<vmem>>, vector<1x16xf32>,
        %get3A_524 = vector.shape_cast %get3A_523 : vector<1x16xf32> to vector<16xf32>
        %add3A_525 = arith.addf %add3A_507, %get3A_524 : vector<16xf32>
        %mul3A_526 = arith.constant 8 : i32
        %mul3A_527 = arith.muli %scan3A_441, %mul3A_526 : i32
        %add3A_528 = arith.constant 5 : i32
        %add3A_529 = arith.addi %mul3A_527, %add3A_528 : i32
        %get3A_530 = arith.index_cast %add3A_529 : i32 to index
        %get3A_531 = arith.constant 0 : index
        %get3A_532 = tpu.vector_load %arg16[%get3A_530, %get3A_531] {strides = array<i32>} : memref<1024x32xf32, #tpu.memory_space<vmem>>, vector<1x16xf32>,
        %get3A_533 = vector.shape_cast %get3A_532 : vector<1x16xf32> to vector<16xf32>
        %add3A_534 = arith.addf %add3A_516, %get3A_533 : vector<16xf32>
        %mul3A_535 = arith.constant 8 : i32
        %mul3A_536 = arith.muli %scan3A_441, %mul3A_535 : i32
        %add3A_537 = arith.constant 5 : i32
        %add3A_538 = arith.addi %mul3A_536, %add3A_537 : i32
        %get3A_539 = arith.index_cast %add3A_538 : i32 to index
        %get3A_540 = arith.constant 16 : index
        %get3A_541 = tpu.vector_load %arg16[%get3A_539, %get3A_540] {strides = array<i32>} : memref<1024x32xf32, #tpu.memory_space<vmem>>, vector<1x16xf32>,
        %get3A_542 = vector.shape_cast %get3A_541 : vector<1x16xf32> to vector<16xf32>
        %add3A_543 = arith.addf %add3A_525, %get3A_542 : vector<16xf32>
        %mul3A_544 = arith.constant 8 : i32
        %mul3A_545 = arith.muli %scan3A_441, %mul3A_544 : i32
        %add3A_546 = arith.constant 6 : i32
        %add3A_547 = arith.addi %mul3A_545, %add3A_546 : i32
        %get3A_548 = arith.index_cast %add3A_547 : i32 to index
        %get3A_549 = arith.constant 0 : index
        %get3A_550 = tpu.vector_load %arg16[%get3A_548, %get3A_549] {strides = array<i32>} : memref<1024x32xf32, #tpu.memory_space<vmem>>, vector<1x16xf32>,
        %get3A_551 = vector.shape_cast %get3A_550 : vector<1x16xf32> to vector<16xf32>
        %add3A_552 = arith.addf %add3A_534, %get3A_551 : vector<16xf32>
        %mul3A_553 = arith.constant 8 : i32
        %mul3A_554 = arith.muli %scan3A_441, %mul3A_553 : i32
        %add3A_555 = arith.constant 6 : i32
        %add3A_556 = arith.addi %mul3A_554, %add3A_555 : i32
        %get3A_557 = arith.index_cast %add3A_556 : i32 to index
        %get3A_558 = arith.constant 16 : index
        %get3A_559 = tpu.vector_load %arg16[%get3A_557, %get3A_558] {strides = array<i32>} : memref<1024x32xf32, #tpu.memory_space<vmem>>, vector<1x16xf32>,
        %get3A_560 = vector.shape_cast %get3A_559 : vector<1x16xf32> to vector<16xf32>
        %add3A_561 = arith.addf %add3A_543, %get3A_560 : vector<16xf32>
        %mul3A_562 = arith.constant 8 : i32
        %mul3A_563 = arith.muli %scan3A_441, %mul3A_562 : i32
        %add3A_564 = arith.constant 7 : i32
        %add3A_565 = arith.addi %mul3A_563, %add3A_564 : i32
        %get3A_566 = arith.index_cast %add3A_565 : i32 to index
        %get3A_567 = arith.constant 0 : index
        %get3A_568 = tpu.vector_load %arg16[%get3A_566, %get3A_567] {strides = array<i32>} : memref<1024x32xf32, #tpu.memory_space<vmem>>, vector<1x16xf32>,
        %get3A_569 = vector.shape_cast %get3A_568 : vector<1x16xf32> to vector<16xf32>
        %add3A_570 = arith.addf %add3A_552, %get3A_569 : vector<16xf32>
        %mul3A_571 = arith.constant 8 : i32
        %mul3A_572 = arith.muli %scan3A_441, %mul3A_571 : i32
        %add3A_573 = arith.constant 7 : i32
        %add3A_574 = arith.addi %mul3A_572, %add3A_573 : i32
        %get3A_575 = arith.index_cast %add3A_574 : i32 to index
        %get3A_576 = arith.constant 16 : index
        %get3A_577 = tpu.vector_load %arg16[%get3A_575, %get3A_576] {strides = array<i32>} : memref<1024x32xf32, #tpu.memory_space<vmem>>, vector<1x16xf32>,
        %get3A_578 = vector.shape_cast %get3A_577 : vector<1x16xf32> to vector<16xf32>
        %add3A_579 = arith.addf %add3A_561, %get3A_578 : vector<16xf32>
        %mul3A_580 = arith.constant 1.250000e-01 : f32
        %mul3A_581 = vector.broadcast %mul3A_580 : f32 to vector<16xf32>
        %mul3A_582 = arith.mulf %add3A_570, %mul3A_581 : vector<16xf32>
        %swap3A = arith.index_cast %scan3A_441 : i32 to index
        %swap3A_583 = arith.constant 0 : index
        %swap3A_584 = tpu.vector_load %arg18[%swap3A, %swap3A_583] {strides = array<i32>} : memref<128x32xf32, #tpu.memory_space<vmem>>, vector<1x16xf32>,
        %swap3A_585 = vector.shape_cast %swap3A_584 : vector<1x16xf32> to vector<16xf32>
        %swap3A_586 = vector.shape_cast %mul3A_582 : vector<16xf32> to vector<1x16xf32>
        tpu.vector_store %arg18[%swap3A, %swap3A_583], %swap3A_586 {strides = array<i32>} : memref<128x32xf32, #tpu.memory_space<vmem>>, vector<1x16xf32>,
        %mul3A_587 = arith.constant 1.250000e-01 : f32
        %mul3A_588 = vector.broadcast %mul3A_587 : f32 to vector<16xf32>
        %mul3A_589 = arith.mulf %add3A_579, %mul3A_588 : vector<16xf32>
        %swap3A_590 = arith.index_cast %scan3A_441 : i32 to index
        %swap3A_591 = arith.constant 16 : index
        %swap3A_592 = tpu.vector_load %arg18[%swap3A_590, %swap3A_591] {strides = array<i32>} : memref<128x32xf32, #tpu.memory_space<vmem>>, vector<1x16xf32>,
        %swap3A_593 = vector.shape_cast %swap3A_592 : vector<1x16xf32> to vector<16xf32>
        %swap3A_594 = vector.shape_cast %mul3A_589 : vector<16xf32> to vector<1x16xf32>
        tpu.vector_store %arg18[%swap3A_590, %swap3A_591], %swap3A_594 {strides = array<i32>} : memref<128x32xf32, #tpu.memory_space<vmem>>, vector<1x16xf32>,
        %scan3A_595 = arith.constant 0 : i32
        %scan3A_596 = arith.constant 1 : i32
        %scan3A_597 = arith.addi %scan3A_441, %scan3A_596 : i32
        %mul3A_598 = arith.constant 8 : i32
        %mul3A_599 = arith.muli %scan3A_597, %mul3A_598 : i32
        %get3A_600 = arith.index_cast %mul3A_599 : i32 to index
        %get3A_601 = arith.constant 0 : index
        %get3A_602 = tpu.vector_load %arg16[%get3A_600, %get3A_601] {strides = array<i32>} : memref<1024x32xf32, #tpu.memory_space<vmem>>, vector<1x16xf32>,
        %get3A_603 = vector.shape_cast %get3A_602 : vector<1x16xf32> to vector<16xf32>
        %mul3A_604 = arith.constant 8 : i32
        %mul3A_605 = arith.muli %scan3A_597, %mul3A_604 : i32
        %get3A_606 = arith.index_cast %mul3A_605 : i32 to index
        %get3A_607 = arith.constant 16 : index
        %get3A_608 = tpu.vector_load %arg16[%get3A_606, %get3A_607] {strides = array<i32>} : memref<1024x32xf32, #tpu.memory_space<vmem>>, vector<1x16xf32>,
        %get3A_609 = vector.shape_cast %get3A_608 : vector<1x16xf32> to vector<16xf32>
        %mul3A_610 = arith.constant 8 : i32
        %mul3A_611 = arith.muli %scan3A_597, %mul3A_610 : i32
        %add3A_612 = arith.constant 1 : i32
        %add3A_613 = arith.addi %mul3A_611, %add3A_612 : i32
        %get3A_614 = arith.index_cast %add3A_613 : i32 to index
        %get3A_615 = arith.constant 0 : index
        %get3A_616 = tpu.vector_load %arg16[%get3A_614, %get3A_615] {strides = array<i32>} : memref<1024x32xf32, #tpu.memory_space<vmem>>, vector<1x16xf32>,
        %get3A_617 = vector.shape_cast %get3A_616 : vector<1x16xf32> to vector<16xf32>
        %add3A_618 = arith.addf %get3A_603, %get3A_617 : vector<16xf32>
        %mul3A_619 = arith.constant 8 : i32
        %mul3A_620 = arith.muli %scan3A_597, %mul3A_619 : i32
        %add3A_621 = arith.constant 1 : i32
        %add3A_622 = arith.addi %mul3A_620, %add3A_621 : i32
        %get3A_623 = arith.index_cast %add3A_622 : i32 to index
        %get3A_624 = arith.constant 16 : index
        %get3A_625 = tpu.vector_load %arg16[%get3A_623, %get3A_624] {strides = array<i32>} : memref<1024x32xf32, #tpu.memory_space<vmem>>, vector<1x16xf32>,
        %get3A_626 = vector.shape_cast %get3A_625 : vector<1x16xf32> to vector<16xf32>
        %add3A_627 = arith.addf %get3A_609, %get3A_626 : vector<16xf32>
        %mul3A_628 = arith.constant 8 : i32
        %mul3A_629 = arith.muli %scan3A_597, %mul3A_628 : i32
        %add3A_630 = arith.constant 2 : i32
        %add3A_631 = arith.addi %mul3A_629, %add3A_630 : i32
        %get3A_632 = arith.index_cast %add3A_631 : i32 to index
        %get3A_633 = arith.constant 0 : index
        %get3A_634 = tpu.vector_load %arg16[%get3A_632, %get3A_633] {strides = array<i32>} : memref<1024x32xf32, #tpu.memory_space<vmem>>, vector<1x16xf32>,
        %get3A_635 = vector.shape_cast %get3A_634 : vector<1x16xf32> to vector<16xf32>
        %add3A_636 = arith.addf %add3A_618, %get3A_635 : vector<16xf32>
        %mul3A_637 = arith.constant 8 : i32
        %mul3A_638 = arith.muli %scan3A_597, %mul3A_637 : i32
        %add3A_639 = arith.constant 2 : i32
        %add3A_640 = arith.addi %mul3A_638, %add3A_639 : i32
        %get3A_641 = arith.index_cast %add3A_640 : i32 to index
        %get3A_642 = arith.constant 16 : index
        %get3A_643 = tpu.vector_load %arg16[%get3A_641, %get3A_642] {strides = array<i32>} : memref<1024x32xf32, #tpu.memory_space<vmem>>, vector<1x16xf32>,
        %get3A_644 = vector.shape_cast %get3A_643 : vector<1x16xf32> to vector<16xf32>
        %add3A_645 = arith.addf %add3A_627, %get3A_644 : vector<16xf32>
        %mul3A_646 = arith.constant 8 : i32
        %mul3A_647 = arith.muli %scan3A_597, %mul3A_646 : i32
        %add3A_648 = arith.constant 3 : i32
        %add3A_649 = arith.addi %mul3A_647, %add3A_648 : i32
        %get3A_650 = arith.index_cast %add3A_649 : i32 to index
        %get3A_651 = arith.constant 0 : index
        %get3A_652 = tpu.vector_load %arg16[%get3A_650, %get3A_651] {strides = array<i32>} : memref<1024x32xf32, #tpu.memory_space<vmem>>, vector<1x16xf32>,
        %get3A_653 = vector.shape_cast %get3A_652 : vector<1x16xf32> to vector<16xf32>
        %add3A_654 = arith.addf %add3A_636, %get3A_653 : vector<16xf32>
        %mul3A_655 = arith.constant 8 : i32
        %mul3A_656 = arith.muli %scan3A_597, %mul3A_655 : i32
        %add3A_657 = arith.constant 3 : i32
        %add3A_658 = arith.addi %mul3A_656, %add3A_657 : i32
        %get3A_659 = arith.index_cast %add3A_658 : i32 to index
        %get3A_660 = arith.constant 16 : index
        %get3A_661 = tpu.vector_load %arg16[%get3A_659, %get3A_660] {strides = array<i32>} : memref<1024x32xf32, #tpu.memory_space<vmem>>, vector<1x16xf32>,
        %get3A_662 = vector.shape_cast %get3A_661 : vector<1x16xf32> to vector<16xf32>
        %add3A_663 = arith.addf %add3A_645, %get3A_662 : vector<16xf32>
        %mul3A_664 = arith.constant 8 : i32
        %mul3A_665 = arith.muli %scan3A_597, %mul3A_664 : i32
        %add3A_666 = arith.constant 4 : i32
        %add3A_667 = arith.addi %mul3A_665, %add3A_666 : i32
        %get3A_668 = arith.index_cast %add3A_667 : i32 to index
        %get3A_669 = arith.constant 0 : index
        %get3A_670 = tpu.vector_load %arg16[%get3A_668, %get3A_669] {strides = array<i32>} : memref<1024x32xf32, #tpu.memory_space<vmem>>, vector<1x16xf32>,
        %get3A_671 = vector.shape_cast %get3A_670 : vector<1x16xf32> to vector<16xf32>
        %add3A_672 = arith.addf %add3A_654, %get3A_671 : vector<16xf32>
        %mul3A_673 = arith.constant 8 : i32
        %mul3A_674 = arith.muli %scan3A_597, %mul3A_673 : i32
        %add3A_675 = arith.constant 4 : i32
        %add3A_676 = arith.addi %mul3A_674, %add3A_675 : i32
        %get3A_677 = arith.index_cast %add3A_676 : i32 to index
        %get3A_678 = arith.constant 16 : index
        %get3A_679 = tpu.vector_load %arg16[%get3A_677, %get3A_678] {strides = array<i32>} : memref<1024x32xf32, #tpu.memory_space<vmem>>, vector<1x16xf32>,
        %get3A_680 = vector.shape_cast %get3A_679 : vector<1x16xf32> to vector<16xf32>
        %add3A_681 = arith.addf %add3A_663, %get3A_680 : vector<16xf32>
        %mul3A_682 = arith.constant 8 : i32
        %mul3A_683 = arith.muli %scan3A_597, %mul3A_682 : i32
        %add3A_684 = arith.constant 5 : i32
        %add3A_685 = arith.addi %mul3A_683, %add3A_684 : i32
        %get3A_686 = arith.index_cast %add3A_685 : i32 to index
        %get3A_687 = arith.constant 0 : index
        %get3A_688 = tpu.vector_load %arg16[%get3A_686, %get3A_687] {strides = array<i32>} : memref<1024x32xf32, #tpu.memory_space<vmem>>, vector<1x16xf32>,
        %get3A_689 = vector.shape_cast %get3A_688 : vector<1x16xf32> to vector<16xf32>
        %add3A_690 = arith.addf %add3A_672, %get3A_689 : vector<16xf32>
        %mul3A_691 = arith.constant 8 : i32
        %mul3A_692 = arith.muli %scan3A_597, %mul3A_691 : i32
        %add3A_693 = arith.constant 5 : i32
        %add3A_694 = arith.addi %mul3A_692, %add3A_693 : i32
        %get3A_695 = arith.index_cast %add3A_694 : i32 to index
        %get3A_696 = arith.constant 16 : index
        %get3A_697 = tpu.vector_load %arg16[%get3A_695, %get3A_696] {strides = array<i32>} : memref<1024x32xf32, #tpu.memory_space<vmem>>, vector<1x16xf32>,
        %get3A_698 = vector.shape_cast %get3A_697 : vector<1x16xf32> to vector<16xf32>
        %add3A_699 = arith.addf %add3A_681, %get3A_698 : vector<16xf32>
        %mul3A_700 = arith.constant 8 : i32
        %mul3A_701 = arith.muli %scan3A_597, %mul3A_700 : i32
        %add3A_702 = arith.constant 6 : i32
        %add3A_703 = arith.addi %mul3A_701, %add3A_702 : i32
        %get3A_704 = arith.index_cast %add3A_703 : i32 to index
        %get3A_705 = arith.constant 0 : index
        %get3A_706 = tpu.vector_load %arg16[%get3A_704, %get3A_705] {strides = array<i32>} : memref<1024x32xf32, #tpu.memory_space<vmem>>, vector<1x16xf32>,
        %get3A_707 = vector.shape_cast %get3A_706 : vector<1x16xf32> to vector<16xf32>
        %add3A_708 = arith.addf %add3A_690, %get3A_707 : vector<16xf32>
        %mul3A_709 = arith.constant 8 : i32
        %mul3A_710 = arith.muli %scan3A_597, %mul3A_709 : i32
        %add3A_711 = arith.constant 6 : i32
        %add3A_712 = arith.addi %mul3A_710, %add3A_711 : i32
        %get3A_713 = arith.index_cast %add3A_712 : i32 to index
        %get3A_714 = arith.constant 16 : index
        %get3A_715 = tpu.vector_load %arg16[%get3A_713, %get3A_714] {strides = array<i32>} : memref<1024x32xf32, #tpu.memory_space<vmem>>, vector<1x16xf32>,
        %get3A_716 = vector.shape_cast %get3A_715 : vector<1x16xf32> to vector<16xf32>
        %add3A_717 = arith.addf %add3A_699, %get3A_716 : vector<16xf32>
        %mul3A_718 = arith.constant 8 : i32
        %mul3A_719 = arith.muli %scan3A_597, %mul3A_718 : i32
        %add3A_720 = arith.constant 7 : i32
        %add3A_721 = arith.addi %mul3A_719, %add3A_720 : i32
        %get3A_722 = arith.index_cast %add3A_721 : i32 to index
        %get3A_723 = arith.constant 0 : index
        %get3A_724 = tpu.vector_load %arg16[%get3A_722, %get3A_723] {strides = array<i32>} : memref<1024x32xf32, #tpu.memory_space<vmem>>, vector<1x16xf32>,
        %get3A_725 = vector.shape_cast %get3A_724 : vector<1x16xf32> to vector<16xf32>
        %add3A_726 = arith.addf %add3A_708, %get3A_725 : vector<16xf32>
        %mul3A_727 = arith.constant 8 : i32
        %mul3A_728 = arith.muli %scan3A_597, %mul3A_727 : i32
        %add3A_729 = arith.constant 7 : i32
        %add3A_730 = arith.addi %mul3A_728, %add3A_729 : i32
        %get3A_731 = arith.index_cast %add3A_730 : i32 to index
        %get3A_732 = arith.constant 16 : index
        %get3A_733 = tpu.vector_load %arg16[%get3A_731, %get3A_732] {strides = array<i32>} : memref<1024x32xf32, #tpu.memory_space<vmem>>, vector<1x16xf32>,
        %get3A_734 = vector.shape_cast %get3A_733 : vector<1x16xf32> to vector<16xf32>
        %add3A_735 = arith.addf %add3A_717, %get3A_734 : vector<16xf32>
        %mul3A_736 = arith.constant 1.250000e-01 : f32
        %mul3A_737 = vector.broadcast %mul3A_736 : f32 to vector<16xf32>
        %mul3A_738 = arith.mulf %add3A_726, %mul3A_737 : vector<16xf32>
        %swap3A_739 = arith.index_cast %scan3A_597 : i32 to index
        %swap3A_740 = arith.constant 0 : index
        %swap3A_741 = tpu.vector_load %arg18[%swap3A_739, %swap3A_740] {strides = array<i32>} : memref<128x32xf32, #tpu.memory_space<vmem>>, vector<1x16xf32>,
        %swap3A_742 = vector.shape_cast %swap3A_741 : vector<1x16xf32> to vector<16xf32>
        %swap3A_743 = vector.shape_cast %mul3A_738 : vector<16xf32> to vector<1x16xf32>
        tpu.vector_store %arg18[%swap3A_739, %swap3A_740], %swap3A_743 {strides = array<i32>} : memref<128x32xf32, #tpu.memory_space<vmem>>, vector<1x16xf32>,
        %mul3A_744 = arith.constant 1.250000e-01 : f32
        %mul3A_745 = vector.broadcast %mul3A_744 : f32 to vector<16xf32>
        %mul3A_746 = arith.mulf %add3A_735, %mul3A_745 : vector<16xf32>
        %swap3A_747 = arith.index_cast %scan3A_597 : i32 to index
        %swap3A_748 = arith.constant 16 : index
        %swap3A_749 = tpu.vector_load %arg18[%swap3A_747, %swap3A_748] {strides = array<i32>} : memref<128x32xf32, #tpu.memory_space<vmem>>, vector<1x16xf32>,
        %swap3A_750 = vector.shape_cast %swap3A_749 : vector<1x16xf32> to vector<16xf32>
        %swap3A_751 = vector.shape_cast %mul3A_746 : vector<16xf32> to vector<1x16xf32>
        tpu.vector_store %arg18[%swap3A_747, %swap3A_748], %swap3A_751 {strides = array<i32>} : memref<128x32xf32, #tpu.memory_space<vmem>>, vector<1x16xf32>,
        %scan3A_752 = arith.constant 0 : i32
        scf.yield %scan3A_752 : i32
      }
      %scan3A_271 = arith.constant 128 : i32
      %mul3A_272 = arith.constant 2560 : i32
      %mul3A_273 = arith.muli %add3A, %mul3A_272 : i32
      %mul3A_274 = arith.constant 128 : i32
      %mul3A_275 = arith.muli %add3A_144, %mul3A_274 : i32
      %add3A_276 = arith.addi %mul3A_273, %mul3A_275 : i32
      %dma_start3A_277 = arith.constant 0 : i32
      %dma_start3A_278 = tpu.memref_slice %arg8[%add3A_276, %dma_start3A_277] : memref<81920x64xf32, #tpu.memory_space<hbm>> -> memref<128x16xf32, #tpu.memory_space<hbm>>
      %dma_start3A_279 = arith.constant 0 : i32
      %dma_start3A_280 = tpu.memref_slice %arg8[%add3A_276, %dma_start3A_279] : memref<81920x64xf32, #tpu.memory_space<hbm>> -> memref<128x16xf32, #tpu.memory_space<hbm>>
      tpu.enqueue_dma source(%arg12 : memref<128x16xf32, #tpu.memory_space<vmem>>) target(%dma_start3A_280 : memref<128x16xf32, #tpu.memory_space<hbm>>) target_semaphore(%arg22 : memref<!tpu.dma_semaphore, #tpu.memory_space<semaphore_mem>>)
      %dma_start3A_281 = arith.constant 16 : i32
      %dma_start3A_282 = tpu.memref_slice %arg8[%add3A_276, %dma_start3A_281] : memref<81920x64xf32, #tpu.memory_space<hbm>> -> memref<128x16xf32, #tpu.memory_space<hbm>>
      %dma_start3A_283 = arith.constant 16 : i32
      %dma_start3A_284 = tpu.memref_slice %arg8[%add3A_276, %dma_start3A_283] : memref<81920x64xf32, #tpu.memory_space<hbm>> -> memref<128x16xf32, #tpu.memory_space<hbm>>
      tpu.enqueue_dma source(%arg14 : memref<128x16xf32, #tpu.memory_space<vmem>>) target(%dma_start3A_284 : memref<128x16xf32, #tpu.memory_space<hbm>>) target_semaphore(%arg22 : memref<!tpu.dma_semaphore, #tpu.memory_space<semaphore_mem>>)
      %dma_start3A_285 = arith.constant 32 : i32
      %dma_start3A_286 = tpu.memref_slice %arg8[%add3A_276, %dma_start3A_285] : memref<81920x64xf32, #tpu.memory_space<hbm>> -> memref<128x32xf32, #tpu.memory_space<hbm>>
      %dma_start3A_287 = arith.constant 32 : i32
      %dma_start3A_288 = tpu.memref_slice %arg8[%add3A_276, %dma_start3A_287] : memref<81920x64xf32, #tpu.memory_space<hbm>> -> memref<128x32xf32, #tpu.memory_space<hbm>>
      tpu.enqueue_dma source(%arg18 : memref<128x32xf32, #tpu.memory_space<vmem>>) target(%dma_start3A_288 : memref<128x32xf32, #tpu.memory_space<hbm>>) target_semaphore(%arg22 : memref<!tpu.dma_semaphore, #tpu.memory_space<semaphore_mem>>)
      %mul3A_289 = arith.constant 2 : i32
      %mul3A_290 = arith.muli %mul3A_289, %scan3A_139 : i32
      %add3A_291 = arith.constant 1 : i32
      %add3A_292 = arith.addi %mul3A_290, %add3A_291 : i32
      %add3A_293 = arith.constant 1 : i32
      %add3A_294 = arith.addi %add3A_292, %add3A_293 : i32
      %lt3A_295 = arith.constant 20 : i32
      %lt3A_296 = arith.cmpi slt, %add3A_294, %lt3A_295 : i32
      %convert_element_type3A_297 = arith.extui %lt3A_296 : i1 to i32
      %cond3A_298 = arith.constant 0 : i32
      %cond3A_299 = arith.cmpi ne, %convert_element_type3A_297, %cond3A_298 : i32
      scf.if %cond3A_299 {
        %ge3A = arith.constant 1 : i32
        %ge3A_441 = arith.cmpi sge, %add3A_292, %ge3A : i32
        %convert_element_type3A_442 = arith.extui %ge3A_441 : i1 to i32
        %cond3A_443 = arith.constant 0 : i32
        %cond3A_444 = arith.cmpi ne, %convert_element_type3A_442, %cond3A_443 : i32
        scf.if %cond3A_444 {
          %sub3A = arith.constant 1 : i32
          %sub3A_563 = arith.subi %add3A_292, %sub3A : i32
          %mul3A_564 = arith.constant 2560 : i32
          %mul3A_565 = arith.muli %add3A, %mul3A_564 : i32
          %mul3A_566 = arith.constant 128 : i32
          %mul3A_567 = arith.muli %sub3A_563, %mul3A_566 : i32
          %add3A_568 = arith.addi %mul3A_565, %mul3A_567 : i32
          %dma_wait3A_569 = arith.constant 0 : i32
          %dma_wait3A_570 = tpu.memref_slice %arg8[%add3A_568, %dma_wait3A_569] : memref<81920x64xf32, #tpu.memory_space<hbm>> -> memref<128x16xf32, #tpu.memory_space<hbm>>
          %dma_wait3A_571 = arith.constant 0 : i32
          %dma_wait3A_572 = tpu.memref_slice %arg8[%add3A_568, %dma_wait3A_571] : memref<81920x64xf32, #tpu.memory_space<hbm>> -> memref<128x16xf32, #tpu.memory_space<hbm>>
          tpu.wait_dma2 semaphore(%arg22 : memref<!tpu.dma_semaphore, #tpu.memory_space<semaphore_mem>>) src(%arg12 : memref<128x16xf32, #tpu.memory_space<vmem>>) dst(%dma_wait3A_572 : memref<128x16xf32, #tpu.memory_space<hbm>>)
          %dma_wait3A_573 = arith.constant 16 : i32
          %dma_wait3A_574 = tpu.memref_slice %arg8[%add3A_568, %dma_wait3A_573] : memref<81920x64xf32, #tpu.memory_space<hbm>> -> memref<128x16xf32, #tpu.memory_space<hbm>>
          %dma_wait3A_575 = arith.constant 16 : i32
          %dma_wait3A_576 = tpu.memref_slice %arg8[%add3A_568, %dma_wait3A_575] : memref<81920x64xf32, #tpu.memory_space<hbm>> -> memref<128x16xf32, #tpu.memory_space<hbm>>
          tpu.wait_dma2 semaphore(%arg22 : memref<!tpu.dma_semaphore, #tpu.memory_space<semaphore_mem>>) src(%arg14 : memref<128x16xf32, #tpu.memory_space<vmem>>) dst(%dma_wait3A_576 : memref<128x16xf32, #tpu.memory_space<hbm>>)
          %dma_wait3A_577 = arith.constant 32 : i32
          %dma_wait3A_578 = tpu.memref_slice %arg8[%add3A_568, %dma_wait3A_577] : memref<81920x64xf32, #tpu.memory_space<hbm>> -> memref<128x32xf32, #tpu.memory_space<hbm>>
          %dma_wait3A_579 = arith.constant 32 : i32
          %dma_wait3A_580 = tpu.memref_slice %arg8[%add3A_568, %dma_wait3A_579] : memref<81920x64xf32, #tpu.memory_space<hbm>> -> memref<128x32xf32, #tpu.memory_space<hbm>>
          tpu.wait_dma2 semaphore(%arg22 : memref<!tpu.dma_semaphore, #tpu.memory_space<semaphore_mem>>) src(%arg18 : memref<128x32xf32, #tpu.memory_space<vmem>>) dst(%dma_wait3A_580 : memref<128x32xf32, #tpu.memory_space<hbm>>)
        } else {
        }
        %add3A_445 = arith.constant 1 : i32
        %add3A_446 = arith.addi %add3A_292, %add3A_445 : i32
        %mul3A_447 = arith.constant 8 : i32
        %mul3A_448 = arith.muli %add3A_446, %mul3A_447 : i32
        %add3A_449 = arith.constant 0 : i32
        %add3A_450 = arith.addi %mul3A_448, %add3A_449 : i32
        %mul3A_451 = arith.constant 8 : i32
        %mul3A_452 = arith.muli %add3A_446, %mul3A_451 : i32
        %add3A_453 = arith.constant 1 : i32
        %add3A_454 = arith.addi %mul3A_452, %add3A_453 : i32
        %mul3A_455 = arith.constant 8 : i32
        %mul3A_456 = arith.muli %add3A_446, %mul3A_455 : i32
        %add3A_457 = arith.constant 2 : i32
        %add3A_458 = arith.addi %mul3A_456, %add3A_457 : i32
        %mul3A_459 = arith.constant 8 : i32
        %mul3A_460 = arith.muli %add3A_446, %mul3A_459 : i32
        %add3A_461 = arith.constant 3 : i32
        %add3A_462 = arith.addi %mul3A_460, %add3A_461 : i32
        %mul3A_463 = arith.constant 8 : i32
        %mul3A_464 = arith.muli %add3A_446, %mul3A_463 : i32
        %add3A_465 = arith.constant 4 : i32
        %add3A_466 = arith.addi %mul3A_464, %add3A_465 : i32
        %mul3A_467 = arith.constant 8 : i32
        %mul3A_468 = arith.muli %add3A_446, %mul3A_467 : i32
        %add3A_469 = arith.constant 5 : i32
        %add3A_470 = arith.addi %mul3A_468, %add3A_469 : i32
        %mul3A_471 = arith.constant 8 : i32
        %mul3A_472 = arith.muli %add3A_446, %mul3A_471 : i32
        %add3A_473 = arith.constant 6 : i32
        %add3A_474 = arith.addi %mul3A_472, %add3A_473 : i32
        %mul3A_475 = arith.constant 8 : i32
        %mul3A_476 = arith.muli %add3A_446, %mul3A_475 : i32
        %add3A_477 = arith.constant 7 : i32
        %add3A_478 = arith.addi %mul3A_476, %add3A_477 : i32
        %dma_start3A_479 = arith.constant 0 : i32
        %dma_start3A_480 = tpu.memref_slice %arg9[%add3A_446, %dma_start3A_479] : memref<20x128xi32, #tpu.memory_space<vmem>> -> memref<1x128xi32, #tpu.memory_space<vmem>>
        %dma_start3A_481 = tpu.memref_squeeze %dma_start3A_480 : memref<1x128xi32, #tpu.memory_space<vmem>> -> memref<128xi32, #tpu.memory_space<vmem>>
        %dma_start3A_482 = arith.constant 0 : i32
        %dma_start3A_483 = arith.constant 0 : i32
        %dma_start3A_484 = tpu.memref_slice %arg5[%dma_start3A_482, %dma_start3A_483] : memref<1000001x16xf32, #tpu.memory_space<hbm>> -> memref<1000001x16xf32, #tpu.memory_space<hbm>>
        tpu.enqueue_indirect_dma source(%dma_start3A_484 : memref<1000001x16xf32, #tpu.memory_space<hbm>>) target(%arg12 : memref<128x16xf32, #tpu.memory_space<vmem>>) offsets(%dma_start3A_481 : memref<128xi32, #tpu.memory_space<vmem>>) semaphore(%arg20 : memref<!tpu.dma_semaphore, #tpu.memory_space<semaphore_mem>>)
        %dma_start3A_485 = arith.constant 0 : i32
        %dma_start3A_486 = tpu.memref_slice %arg10[%add3A_446, %dma_start3A_485] : memref<20x128xi32, #tpu.memory_space<vmem>> -> memref<1x128xi32, #tpu.memory_space<vmem>>
        %dma_start3A_487 = tpu.memref_squeeze %dma_start3A_486 : memref<1x128xi32, #tpu.memory_space<vmem>> -> memref<128xi32, #tpu.memory_space<vmem>>
        %dma_start3A_488 = arith.constant 0 : i32
        %dma_start3A_489 = arith.constant 0 : i32
        %dma_start3A_490 = tpu.memref_slice %arg6[%dma_start3A_488, %dma_start3A_489] : memref<1001x16xf32, #tpu.memory_space<hbm>> -> memref<1001x16xf32, #tpu.memory_space<hbm>>
        tpu.enqueue_indirect_dma source(%dma_start3A_490 : memref<1001x16xf32, #tpu.memory_space<hbm>>) target(%arg14 : memref<128x16xf32, #tpu.memory_space<vmem>>) offsets(%dma_start3A_487 : memref<128xi32, #tpu.memory_space<vmem>>) semaphore(%arg20 : memref<!tpu.dma_semaphore, #tpu.memory_space<semaphore_mem>>)
        %dma_start3A_491 = arith.constant 0 : i32
        %dma_start3A_492 = arith.constant 0 : i32
        %dma_start3A_493 = tpu.memref_slice %arg16[%dma_start3A_491, %dma_start3A_492] : memref<1024x32xf32, #tpu.memory_space<vmem>> -> memref<128x32xf32, #tpu.memory_space<vmem>>
        %dma_start3A_494 = arith.constant 0 : i32
        %dma_start3A_495 = tpu.memref_slice %arg11[%add3A_450, %dma_start3A_494] : memref<160x128xi32, #tpu.memory_space<vmem>> -> memref<1x128xi32, #tpu.memory_space<vmem>>
        %dma_start3A_496 = tpu.memref_squeeze %dma_start3A_495 : memref<1x128xi32, #tpu.memory_space<vmem>> -> memref<128xi32, #tpu.memory_space<vmem>>
        %dma_start3A_497 = arith.constant 0 : i32
        %dma_start3A_498 = arith.constant 0 : i32
        %dma_start3A_499 = tpu.memref_slice %arg7[%dma_start3A_497, %dma_start3A_498] : memref<10000x32xf32, #tpu.memory_space<hbm>> -> memref<10000x32xf32, #tpu.memory_space<hbm>>
        tpu.enqueue_indirect_dma source(%dma_start3A_499 : memref<10000x32xf32, #tpu.memory_space<hbm>>) target(%dma_start3A_493 : memref<128x32xf32, #tpu.memory_space<vmem>>) offsets(%dma_start3A_496 : memref<128xi32, #tpu.memory_space<vmem>>) semaphore(%arg20 : memref<!tpu.dma_semaphore, #tpu.memory_space<semaphore_mem>>)
        %dma_start3A_500 = arith.constant 128 : i32
        %dma_start3A_501 = arith.constant 0 : i32
        %dma_start3A_502 = tpu.memref_slice %arg16[%dma_start3A_500, %dma_start3A_501] : memref<1024x32xf32, #tpu.memory_space<vmem>> -> memref<128x32xf32, #tpu.memory_space<vmem>>
        %dma_start3A_503 = arith.constant 0 : i32
        %dma_start3A_504 = tpu.memref_slice %arg11[%add3A_454, %dma_start3A_503] : memref<160x128xi32, #tpu.memory_space<vmem>> -> memref<1x128xi32, #tpu.memory_space<vmem>>
        %dma_start3A_505 = tpu.memref_squeeze %dma_start3A_504 : memref<1x128xi32, #tpu.memory_space<vmem>> -> memref<128xi32, #tpu.memory_space<vmem>>
        %dma_start3A_506 = arith.constant 0 : i32
        %dma_start3A_507 = arith.constant 0 : i32
        %dma_start3A_508 = tpu.memref_slice %arg7[%dma_start3A_506, %dma_start3A_507] : memref<10000x32xf32, #tpu.memory_space<hbm>> -> memref<10000x32xf32, #tpu.memory_space<hbm>>
        tpu.enqueue_indirect_dma source(%dma_start3A_508 : memref<10000x32xf32, #tpu.memory_space<hbm>>) target(%dma_start3A_502 : memref<128x32xf32, #tpu.memory_space<vmem>>) offsets(%dma_start3A_505 : memref<128xi32, #tpu.memory_space<vmem>>) semaphore(%arg20 : memref<!tpu.dma_semaphore, #tpu.memory_space<semaphore_mem>>)
        %dma_start3A_509 = arith.constant 256 : i32
        %dma_start3A_510 = arith.constant 0 : i32
        %dma_start3A_511 = tpu.memref_slice %arg16[%dma_start3A_509, %dma_start3A_510] : memref<1024x32xf32, #tpu.memory_space<vmem>> -> memref<128x32xf32, #tpu.memory_space<vmem>>
        %dma_start3A_512 = arith.constant 0 : i32
        %dma_start3A_513 = tpu.memref_slice %arg11[%add3A_458, %dma_start3A_512] : memref<160x128xi32, #tpu.memory_space<vmem>> -> memref<1x128xi32, #tpu.memory_space<vmem>>
        %dma_start3A_514 = tpu.memref_squeeze %dma_start3A_513 : memref<1x128xi32, #tpu.memory_space<vmem>> -> memref<128xi32, #tpu.memory_space<vmem>>
        %dma_start3A_515 = arith.constant 0 : i32
        %dma_start3A_516 = arith.constant 0 : i32
        %dma_start3A_517 = tpu.memref_slice %arg7[%dma_start3A_515, %dma_start3A_516] : memref<10000x32xf32, #tpu.memory_space<hbm>> -> memref<10000x32xf32, #tpu.memory_space<hbm>>
        tpu.enqueue_indirect_dma source(%dma_start3A_517 : memref<10000x32xf32, #tpu.memory_space<hbm>>) target(%dma_start3A_511 : memref<128x32xf32, #tpu.memory_space<vmem>>) offsets(%dma_start3A_514 : memref<128xi32, #tpu.memory_space<vmem>>) semaphore(%arg20 : memref<!tpu.dma_semaphore, #tpu.memory_space<semaphore_mem>>)
        %dma_start3A_518 = arith.constant 384 : i32
        %dma_start3A_519 = arith.constant 0 : i32
        %dma_start3A_520 = tpu.memref_slice %arg16[%dma_start3A_518, %dma_start3A_519] : memref<1024x32xf32, #tpu.memory_space<vmem>> -> memref<128x32xf32, #tpu.memory_space<vmem>>
        %dma_start3A_521 = arith.constant 0 : i32
        %dma_start3A_522 = tpu.memref_slice %arg11[%add3A_462, %dma_start3A_521] : memref<160x128xi32, #tpu.memory_space<vmem>> -> memref<1x128xi32, #tpu.memory_space<vmem>>
        %dma_start3A_523 = tpu.memref_squeeze %dma_start3A_522 : memref<1x128xi32, #tpu.memory_space<vmem>> -> memref<128xi32, #tpu.memory_space<vmem>>
        %dma_start3A_524 = arith.constant 0 : i32
        %dma_start3A_525 = arith.constant 0 : i32
        %dma_start3A_526 = tpu.memref_slice %arg7[%dma_start3A_524, %dma_start3A_525] : memref<10000x32xf32, #tpu.memory_space<hbm>> -> memref<10000x32xf32, #tpu.memory_space<hbm>>
        tpu.enqueue_indirect_dma source(%dma_start3A_526 : memref<10000x32xf32, #tpu.memory_space<hbm>>) target(%dma_start3A_520 : memref<128x32xf32, #tpu.memory_space<vmem>>) offsets(%dma_start3A_523 : memref<128xi32, #tpu.memory_space<vmem>>) semaphore(%arg20 : memref<!tpu.dma_semaphore, #tpu.memory_space<semaphore_mem>>)
        %dma_start3A_527 = arith.constant 512 : i32
        %dma_start3A_528 = arith.constant 0 : i32
        %dma_start3A_529 = tpu.memref_slice %arg16[%dma_start3A_527, %dma_start3A_528] : memref<1024x32xf32, #tpu.memory_space<vmem>> -> memref<128x32xf32, #tpu.memory_space<vmem>>
        %dma_start3A_530 = arith.constant 0 : i32
        %dma_start3A_531 = tpu.memref_slice %arg11[%add3A_466, %dma_start3A_530] : memref<160x128xi32, #tpu.memory_space<vmem>> -> memref<1x128xi32, #tpu.memory_space<vmem>>
        %dma_start3A_532 = tpu.memref_squeeze %dma_start3A_531 : memref<1x128xi32, #tpu.memory_space<vmem>> -> memref<128xi32, #tpu.memory_space<vmem>>
        %dma_start3A_533 = arith.constant 0 : i32
        %dma_start3A_534 = arith.constant 0 : i32
        %dma_start3A_535 = tpu.memref_slice %arg7[%dma_start3A_533, %dma_start3A_534] : memref<10000x32xf32, #tpu.memory_space<hbm>> -> memref<10000x32xf32, #tpu.memory_space<hbm>>
        tpu.enqueue_indirect_dma source(%dma_start3A_535 : memref<10000x32xf32, #tpu.memory_space<hbm>>) target(%dma_start3A_529 : memref<128x32xf32, #tpu.memory_space<vmem>>) offsets(%dma_start3A_532 : memref<128xi32, #tpu.memory_space<vmem>>) semaphore(%arg20 : memref<!tpu.dma_semaphore, #tpu.memory_space<semaphore_mem>>)
        %dma_start3A_536 = arith.constant 640 : i32
        %dma_start3A_537 = arith.constant 0 : i32
        %dma_start3A_538 = tpu.memref_slice %arg16[%dma_start3A_536, %dma_start3A_537] : memref<1024x32xf32, #tpu.memory_space<vmem>> -> memref<128x32xf32, #tpu.memory_space<vmem>>
        %dma_start3A_539 = arith.constant 0 : i32
        %dma_start3A_540 = tpu.memref_slice %arg11[%add3A_470, %dma_start3A_539] : memref<160x128xi32, #tpu.memory_space<vmem>> -> memref<1x128xi32, #tpu.memory_space<vmem>>
        %dma_start3A_541 = tpu.memref_squeeze %dma_start3A_540 : memref<1x128xi32, #tpu.memory_space<vmem>> -> memref<128xi32, #tpu.memory_space<vmem>>
        %dma_start3A_542 = arith.constant 0 : i32
        %dma_start3A_543 = arith.constant 0 : i32
        %dma_start3A_544 = tpu.memref_slice %arg7[%dma_start3A_542, %dma_start3A_543] : memref<10000x32xf32, #tpu.memory_space<hbm>> -> memref<10000x32xf32, #tpu.memory_space<hbm>>
        tpu.enqueue_indirect_dma source(%dma_start3A_544 : memref<10000x32xf32, #tpu.memory_space<hbm>>) target(%dma_start3A_538 : memref<128x32xf32, #tpu.memory_space<vmem>>) offsets(%dma_start3A_541 : memref<128xi32, #tpu.memory_space<vmem>>) semaphore(%arg20 : memref<!tpu.dma_semaphore, #tpu.memory_space<semaphore_mem>>)
        %dma_start3A_545 = arith.constant 768 : i32
        %dma_start3A_546 = arith.constant 0 : i32
        %dma_start3A_547 = tpu.memref_slice %arg16[%dma_start3A_545, %dma_start3A_546] : memref<1024x32xf32, #tpu.memory_space<vmem>> -> memref<128x32xf32, #tpu.memory_space<vmem>>
        %dma_start3A_548 = arith.constant 0 : i32
        %dma_start3A_549 = tpu.memref_slice %arg11[%add3A_474, %dma_start3A_548] : memref<160x128xi32, #tpu.memory_space<vmem>> -> memref<1x128xi32, #tpu.memory_space<vmem>>
        %dma_start3A_550 = tpu.memref_squeeze %dma_start3A_549 : memref<1x128xi32, #tpu.memory_space<vmem>> -> memref<128xi32, #tpu.memory_space<vmem>>
        %dma_start3A_551 = arith.constant 0 : i32
        %dma_start3A_552 = arith.constant 0 : i32
        %dma_start3A_553 = tpu.memref_slice %arg7[%dma_start3A_551, %dma_start3A_552] : memref<10000x32xf32, #tpu.memory_space<hbm>> -> memref<10000x32xf32, #tpu.memory_space<hbm>>
        tpu.enqueue_indirect_dma source(%dma_start3A_553 : memref<10000x32xf32, #tpu.memory_space<hbm>>) target(%dma_start3A_547 : memref<128x32xf32, #tpu.memory_space<vmem>>) offsets(%dma_start3A_550 : memref<128xi32, #tpu.memory_space<vmem>>) semaphore(%arg20 : memref<!tpu.dma_semaphore, #tpu.memory_space<semaphore_mem>>)
        %dma_start3A_554 = arith.constant 896 : i32
        %dma_start3A_555 = arith.constant 0 : i32
        %dma_start3A_556 = tpu.memref_slice %arg16[%dma_start3A_554, %dma_start3A_555] : memref<1024x32xf32, #tpu.memory_space<vmem>> -> memref<128x32xf32, #tpu.memory_space<vmem>>
        %dma_start3A_557 = arith.constant 0 : i32
        %dma_start3A_558 = tpu.memref_slice %arg11[%add3A_478, %dma_start3A_557] : memref<160x128xi32, #tpu.memory_space<vmem>> -> memref<1x128xi32, #tpu.memory_space<vmem>>
        %dma_start3A_559 = tpu.memref_squeeze %dma_start3A_558 : memref<1x128xi32, #tpu.memory_space<vmem>> -> memref<128xi32, #tpu.memory_space<vmem>>
        %dma_start3A_560 = arith.constant 0 : i32
        %dma_start3A_561 = arith.constant 0 : i32
        %dma_start3A_562 = tpu.memref_slice %arg7[%dma_start3A_560, %dma_start3A_561] : memref<10000x32xf32, #tpu.memory_space<hbm>> -> memref<10000x32xf32, #tpu.memory_space<hbm>>
        tpu.enqueue_indirect_dma source(%dma_start3A_562 : memref<10000x32xf32, #tpu.memory_space<hbm>>) target(%dma_start3A_556 : memref<128x32xf32, #tpu.memory_space<vmem>>) offsets(%dma_start3A_559 : memref<128xi32, #tpu.memory_space<vmem>>) semaphore(%arg20 : memref<!tpu.dma_semaphore, #tpu.memory_space<semaphore_mem>>)
      } else {
      }
      %mul3A_300 = arith.constant 8 : i32
      %mul3A_301 = arith.muli %add3A_292, %mul3A_300 : i32
      %add3A_302 = arith.constant 0 : i32
      %add3A_303 = arith.addi %mul3A_301, %add3A_302 : i32
      %mul3A_304 = arith.constant 8 : i32
      %mul3A_305 = arith.muli %add3A_292, %mul3A_304 : i32
      %add3A_306 = arith.constant 1 : i32
      %add3A_307 = arith.addi %mul3A_305, %add3A_306 : i32
      %mul3A_308 = arith.constant 8 : i32
      %mul3A_309 = arith.muli %add3A_292, %mul3A_308 : i32
      %add3A_310 = arith.constant 2 : i32
      %add3A_311 = arith.addi %mul3A_309, %add3A_310 : i32
      %mul3A_312 = arith.constant 8 : i32
      %mul3A_313 = arith.muli %add3A_292, %mul3A_312 : i32
      %add3A_314 = arith.constant 3 : i32
      %add3A_315 = arith.addi %mul3A_313, %add3A_314 : i32
      %mul3A_316 = arith.constant 8 : i32
      %mul3A_317 = arith.muli %add3A_292, %mul3A_316 : i32
      %add3A_318 = arith.constant 4 : i32
      %add3A_319 = arith.addi %mul3A_317, %add3A_318 : i32
      %mul3A_320 = arith.constant 8 : i32
      %mul3A_321 = arith.muli %add3A_292, %mul3A_320 : i32
      %add3A_322 = arith.constant 5 : i32
      %add3A_323 = arith.addi %mul3A_321, %add3A_322 : i32
      %mul3A_324 = arith.constant 8 : i32
      %mul3A_325 = arith.muli %add3A_292, %mul3A_324 : i32
      %add3A_326 = arith.constant 6 : i32
      %add3A_327 = arith.addi %mul3A_325, %add3A_326 : i32
      %mul3A_328 = arith.constant 8 : i32
      %mul3A_329 = arith.muli %add3A_292, %mul3A_328 : i32
      %add3A_330 = arith.constant 7 : i32
      %add3A_331 = arith.addi %mul3A_329, %add3A_330 : i32
      %dma_wait3A_332 = arith.constant 0 : i32
      %dma_wait3A_333 = tpu.memref_slice %arg9[%add3A_292, %dma_wait3A_332] : memref<20x128xi32, #tpu.memory_space<vmem>> -> memref<1x128xi32, #tpu.memory_space<vmem>>
      %dma_wait3A_334 = tpu.memref_squeeze %dma_wait3A_333 : memref<1x128xi32, #tpu.memory_space<vmem>> -> memref<128xi32, #tpu.memory_space<vmem>>
      %dma_wait3A_335 = arith.constant 0 : i32
      %dma_wait3A_336 = arith.constant 0 : i32
      %dma_wait3A_337 = tpu.memref_slice %arg5[%dma_wait3A_335, %dma_wait3A_336] : memref<1000001x16xf32, #tpu.memory_space<hbm>> -> memref<1000001x16xf32, #tpu.memory_space<hbm>>
      tpu.wait_indirect_dma semaphore(%arg21 : memref<!tpu.dma_semaphore, #tpu.memory_space<semaphore_mem>>) src(%dma_wait3A_337 : memref<1000001x16xf32, #tpu.memory_space<hbm>>) dst(%arg13 : memref<128x16xf32, #tpu.memory_space<vmem>>)
      %dma_wait3A_338 = arith.constant 0 : i32
      %dma_wait3A_339 = tpu.memref_slice %arg10[%add3A_292, %dma_wait3A_338] : memref<20x128xi32, #tpu.memory_space<vmem>> -> memref<1x128xi32, #tpu.memory_space<vmem>>
      %dma_wait3A_340 = tpu.memref_squeeze %dma_wait3A_339 : memref<1x128xi32, #tpu.memory_space<vmem>> -> memref<128xi32, #tpu.memory_space<vmem>>
      %dma_wait3A_341 = arith.constant 0 : i32
      %dma_wait3A_342 = arith.constant 0 : i32
      %dma_wait3A_343 = tpu.memref_slice %arg6[%dma_wait3A_341, %dma_wait3A_342] : memref<1001x16xf32, #tpu.memory_space<hbm>> -> memref<1001x16xf32, #tpu.memory_space<hbm>>
      tpu.wait_indirect_dma semaphore(%arg21 : memref<!tpu.dma_semaphore, #tpu.memory_space<semaphore_mem>>) src(%dma_wait3A_343 : memref<1001x16xf32, #tpu.memory_space<hbm>>) dst(%arg15 : memref<128x16xf32, #tpu.memory_space<vmem>>)
      %dma_wait3A_344 = arith.constant 0 : i32
      %dma_wait3A_345 = arith.constant 0 : i32
      %dma_wait3A_346 = tpu.memref_slice %arg17[%dma_wait3A_344, %dma_wait3A_345] : memref<1024x32xf32, #tpu.memory_space<vmem>> -> memref<128x32xf32, #tpu.memory_space<vmem>>
      %dma_wait3A_347 = arith.constant 0 : i32
      %dma_wait3A_348 = tpu.memref_slice %arg11[%add3A_303, %dma_wait3A_347] : memref<160x128xi32, #tpu.memory_space<vmem>> -> memref<1x128xi32, #tpu.memory_space<vmem>>
      %dma_wait3A_349 = tpu.memref_squeeze %dma_wait3A_348 : memref<1x128xi32, #tpu.memory_space<vmem>> -> memref<128xi32, #tpu.memory_space<vmem>>
      %dma_wait3A_350 = arith.constant 0 : i32
      %dma_wait3A_351 = arith.constant 0 : i32
      %dma_wait3A_352 = tpu.memref_slice %arg7[%dma_wait3A_350, %dma_wait3A_351] : memref<10000x32xf32, #tpu.memory_space<hbm>> -> memref<10000x32xf32, #tpu.memory_space<hbm>>
      tpu.wait_indirect_dma semaphore(%arg21 : memref<!tpu.dma_semaphore, #tpu.memory_space<semaphore_mem>>) src(%dma_wait3A_352 : memref<10000x32xf32, #tpu.memory_space<hbm>>) dst(%dma_wait3A_346 : memref<128x32xf32, #tpu.memory_space<vmem>>)
      %dma_wait3A_353 = arith.constant 128 : i32
      %dma_wait3A_354 = arith.constant 0 : i32
      %dma_wait3A_355 = tpu.memref_slice %arg17[%dma_wait3A_353, %dma_wait3A_354] : memref<1024x32xf32, #tpu.memory_space<vmem>> -> memref<128x32xf32, #tpu.memory_space<vmem>>
      %dma_wait3A_356 = arith.constant 0 : i32
      %dma_wait3A_357 = tpu.memref_slice %arg11[%add3A_307, %dma_wait3A_356] : memref<160x128xi32, #tpu.memory_space<vmem>> -> memref<1x128xi32, #tpu.memory_space<vmem>>
      %dma_wait3A_358 = tpu.memref_squeeze %dma_wait3A_357 : memref<1x128xi32, #tpu.memory_space<vmem>> -> memref<128xi32, #tpu.memory_space<vmem>>
      %dma_wait3A_359 = arith.constant 0 : i32
      %dma_wait3A_360 = arith.constant 0 : i32
      %dma_wait3A_361 = tpu.memref_slice %arg7[%dma_wait3A_359, %dma_wait3A_360] : memref<10000x32xf32, #tpu.memory_space<hbm>> -> memref<10000x32xf32, #tpu.memory_space<hbm>>
      tpu.wait_indirect_dma semaphore(%arg21 : memref<!tpu.dma_semaphore, #tpu.memory_space<semaphore_mem>>) src(%dma_wait3A_361 : memref<10000x32xf32, #tpu.memory_space<hbm>>) dst(%dma_wait3A_355 : memref<128x32xf32, #tpu.memory_space<vmem>>)
      %dma_wait3A_362 = arith.constant 256 : i32
      %dma_wait3A_363 = arith.constant 0 : i32
      %dma_wait3A_364 = tpu.memref_slice %arg17[%dma_wait3A_362, %dma_wait3A_363] : memref<1024x32xf32, #tpu.memory_space<vmem>> -> memref<128x32xf32, #tpu.memory_space<vmem>>
      %dma_wait3A_365 = arith.constant 0 : i32
      %dma_wait3A_366 = tpu.memref_slice %arg11[%add3A_311, %dma_wait3A_365] : memref<160x128xi32, #tpu.memory_space<vmem>> -> memref<1x128xi32, #tpu.memory_space<vmem>>
      %dma_wait3A_367 = tpu.memref_squeeze %dma_wait3A_366 : memref<1x128xi32, #tpu.memory_space<vmem>> -> memref<128xi32, #tpu.memory_space<vmem>>
      %dma_wait3A_368 = arith.constant 0 : i32
      %dma_wait3A_369 = arith.constant 0 : i32
      %dma_wait3A_370 = tpu.memref_slice %arg7[%dma_wait3A_368, %dma_wait3A_369] : memref<10000x32xf32, #tpu.memory_space<hbm>> -> memref<10000x32xf32, #tpu.memory_space<hbm>>
      tpu.wait_indirect_dma semaphore(%arg21 : memref<!tpu.dma_semaphore, #tpu.memory_space<semaphore_mem>>) src(%dma_wait3A_370 : memref<10000x32xf32, #tpu.memory_space<hbm>>) dst(%dma_wait3A_364 : memref<128x32xf32, #tpu.memory_space<vmem>>)
      %dma_wait3A_371 = arith.constant 384 : i32
      %dma_wait3A_372 = arith.constant 0 : i32
      %dma_wait3A_373 = tpu.memref_slice %arg17[%dma_wait3A_371, %dma_wait3A_372] : memref<1024x32xf32, #tpu.memory_space<vmem>> -> memref<128x32xf32, #tpu.memory_space<vmem>>
      %dma_wait3A_374 = arith.constant 0 : i32
      %dma_wait3A_375 = tpu.memref_slice %arg11[%add3A_315, %dma_wait3A_374] : memref<160x128xi32, #tpu.memory_space<vmem>> -> memref<1x128xi32, #tpu.memory_space<vmem>>
      %dma_wait3A_376 = tpu.memref_squeeze %dma_wait3A_375 : memref<1x128xi32, #tpu.memory_space<vmem>> -> memref<128xi32, #tpu.memory_space<vmem>>
      %dma_wait3A_377 = arith.constant 0 : i32
      %dma_wait3A_378 = arith.constant 0 : i32
      %dma_wait3A_379 = tpu.memref_slice %arg7[%dma_wait3A_377, %dma_wait3A_378] : memref<10000x32xf32, #tpu.memory_space<hbm>> -> memref<10000x32xf32, #tpu.memory_space<hbm>>
      tpu.wait_indirect_dma semaphore(%arg21 : memref<!tpu.dma_semaphore, #tpu.memory_space<semaphore_mem>>) src(%dma_wait3A_379 : memref<10000x32xf32, #tpu.memory_space<hbm>>) dst(%dma_wait3A_373 : memref<128x32xf32, #tpu.memory_space<vmem>>)
      %dma_wait3A_380 = arith.constant 512 : i32
      %dma_wait3A_381 = arith.constant 0 : i32
      %dma_wait3A_382 = tpu.memref_slice %arg17[%dma_wait3A_380, %dma_wait3A_381] : memref<1024x32xf32, #tpu.memory_space<vmem>> -> memref<128x32xf32, #tpu.memory_space<vmem>>
      %dma_wait3A_383 = arith.constant 0 : i32
      %dma_wait3A_384 = tpu.memref_slice %arg11[%add3A_319, %dma_wait3A_383] : memref<160x128xi32, #tpu.memory_space<vmem>> -> memref<1x128xi32, #tpu.memory_space<vmem>>
      %dma_wait3A_385 = tpu.memref_squeeze %dma_wait3A_384 : memref<1x128xi32, #tpu.memory_space<vmem>> -> memref<128xi32, #tpu.memory_space<vmem>>
      %dma_wait3A_386 = arith.constant 0 : i32
      %dma_wait3A_387 = arith.constant 0 : i32
      %dma_wait3A_388 = tpu.memref_slice %arg7[%dma_wait3A_386, %dma_wait3A_387] : memref<10000x32xf32, #tpu.memory_space<hbm>> -> memref<10000x32xf32, #tpu.memory_space<hbm>>
      tpu.wait_indirect_dma semaphore(%arg21 : memref<!tpu.dma_semaphore, #tpu.memory_space<semaphore_mem>>) src(%dma_wait3A_388 : memref<10000x32xf32, #tpu.memory_space<hbm>>) dst(%dma_wait3A_382 : memref<128x32xf32, #tpu.memory_space<vmem>>)
      %dma_wait3A_389 = arith.constant 640 : i32
      %dma_wait3A_390 = arith.constant 0 : i32
      %dma_wait3A_391 = tpu.memref_slice %arg17[%dma_wait3A_389, %dma_wait3A_390] : memref<1024x32xf32, #tpu.memory_space<vmem>> -> memref<128x32xf32, #tpu.memory_space<vmem>>
      %dma_wait3A_392 = arith.constant 0 : i32
      %dma_wait3A_393 = tpu.memref_slice %arg11[%add3A_323, %dma_wait3A_392] : memref<160x128xi32, #tpu.memory_space<vmem>> -> memref<1x128xi32, #tpu.memory_space<vmem>>
      %dma_wait3A_394 = tpu.memref_squeeze %dma_wait3A_393 : memref<1x128xi32, #tpu.memory_space<vmem>> -> memref<128xi32, #tpu.memory_space<vmem>>
      %dma_wait3A_395 = arith.constant 0 : i32
      %dma_wait3A_396 = arith.constant 0 : i32
      %dma_wait3A_397 = tpu.memref_slice %arg7[%dma_wait3A_395, %dma_wait3A_396] : memref<10000x32xf32, #tpu.memory_space<hbm>> -> memref<10000x32xf32, #tpu.memory_space<hbm>>
      tpu.wait_indirect_dma semaphore(%arg21 : memref<!tpu.dma_semaphore, #tpu.memory_space<semaphore_mem>>) src(%dma_wait3A_397 : memref<10000x32xf32, #tpu.memory_space<hbm>>) dst(%dma_wait3A_391 : memref<128x32xf32, #tpu.memory_space<vmem>>)
      %dma_wait3A_398 = arith.constant 768 : i32
      %dma_wait3A_399 = arith.constant 0 : i32
      %dma_wait3A_400 = tpu.memref_slice %arg17[%dma_wait3A_398, %dma_wait3A_399] : memref<1024x32xf32, #tpu.memory_space<vmem>> -> memref<128x32xf32, #tpu.memory_space<vmem>>
      %dma_wait3A_401 = arith.constant 0 : i32
      %dma_wait3A_402 = tpu.memref_slice %arg11[%add3A_327, %dma_wait3A_401] : memref<160x128xi32, #tpu.memory_space<vmem>> -> memref<1x128xi32, #tpu.memory_space<vmem>>
      %dma_wait3A_403 = tpu.memref_squeeze %dma_wait3A_402 : memref<1x128xi32, #tpu.memory_space<vmem>> -> memref<128xi32, #tpu.memory_space<vmem>>
      %dma_wait3A_404 = arith.constant 0 : i32
      %dma_wait3A_405 = arith.constant 0 : i32
      %dma_wait3A_406 = tpu.memref_slice %arg7[%dma_wait3A_404, %dma_wait3A_405] : memref<10000x32xf32, #tpu.memory_space<hbm>> -> memref<10000x32xf32, #tpu.memory_space<hbm>>
      tpu.wait_indirect_dma semaphore(%arg21 : memref<!tpu.dma_semaphore, #tpu.memory_space<semaphore_mem>>) src(%dma_wait3A_406 : memref<10000x32xf32, #tpu.memory_space<hbm>>) dst(%dma_wait3A_400 : memref<128x32xf32, #tpu.memory_space<vmem>>)
      %dma_wait3A_407 = arith.constant 896 : i32
      %dma_wait3A_408 = arith.constant 0 : i32
      %dma_wait3A_409 = tpu.memref_slice %arg17[%dma_wait3A_407, %dma_wait3A_408] : memref<1024x32xf32, #tpu.memory_space<vmem>> -> memref<128x32xf32, #tpu.memory_space<vmem>>
      %dma_wait3A_410 = arith.constant 0 : i32
      %dma_wait3A_411 = tpu.memref_slice %arg11[%add3A_331, %dma_wait3A_410] : memref<160x128xi32, #tpu.memory_space<vmem>> -> memref<1x128xi32, #tpu.memory_space<vmem>>
      %dma_wait3A_412 = tpu.memref_squeeze %dma_wait3A_411 : memref<1x128xi32, #tpu.memory_space<vmem>> -> memref<128xi32, #tpu.memory_space<vmem>>
      %dma_wait3A_413 = arith.constant 0 : i32
      %dma_wait3A_414 = arith.constant 0 : i32
      %dma_wait3A_415 = tpu.memref_slice %arg7[%dma_wait3A_413, %dma_wait3A_414] : memref<10000x32xf32, #tpu.memory_space<hbm>> -> memref<10000x32xf32, #tpu.memory_space<hbm>>
      tpu.wait_indirect_dma semaphore(%arg21 : memref<!tpu.dma_semaphore, #tpu.memory_space<semaphore_mem>>) src(%dma_wait3A_415 : memref<10000x32xf32, #tpu.memory_space<hbm>>) dst(%dma_wait3A_409 : memref<128x32xf32, #tpu.memory_space<vmem>>)
      %scan3A_416 = arith.constant 0 : i32
      %scan3A_417 = arith.constant 0 : i32
      %scan3A_418 = arith.constant 128 : i32
      %scan3A_419 = arith.addi %scan3A_417, %scan3A_418 : i32
      %scan3A_420 = arith.constant 2 : i32
      %scan3A_421 = scf.for %scan3A_441 = %scan3A_417 to %scan3A_419 step %scan3A_420 iter_args(%scan3A_442 = %scan3A_416) -> (i32)  : i32 {
        %mul3A_443 = arith.constant 8 : i32
        %mul3A_444 = arith.muli %scan3A_441, %mul3A_443 : i32
        %get3A = arith.index_cast %mul3A_444 : i32 to index
        %get3A_445 = arith.constant 0 : index
        %get3A_446 = tpu.vector_load %arg17[%get3A, %get3A_445] {strides = array<i32>} : memref<1024x32xf32, #tpu.memory_space<vmem>>, vector<1x16xf32>,
        %get3A_447 = vector.shape_cast %get3A_446 : vector<1x16xf32> to vector<16xf32>
        %mul3A_448 = arith.constant 8 : i32
        %mul3A_449 = arith.muli %scan3A_441, %mul3A_448 : i32
        %get3A_450 = arith.index_cast %mul3A_449 : i32 to index
        %get3A_451 = arith.constant 16 : index
        %get3A_452 = tpu.vector_load %arg17[%get3A_450, %get3A_451] {strides = array<i32>} : memref<1024x32xf32, #tpu.memory_space<vmem>>, vector<1x16xf32>,
        %get3A_453 = vector.shape_cast %get3A_452 : vector<1x16xf32> to vector<16xf32>
        %mul3A_454 = arith.constant 8 : i32
        %mul3A_455 = arith.muli %scan3A_441, %mul3A_454 : i32
        %add3A_456 = arith.constant 1 : i32
        %add3A_457 = arith.addi %mul3A_455, %add3A_456 : i32
        %get3A_458 = arith.index_cast %add3A_457 : i32 to index
        %get3A_459 = arith.constant 0 : index
        %get3A_460 = tpu.vector_load %arg17[%get3A_458, %get3A_459] {strides = array<i32>} : memref<1024x32xf32, #tpu.memory_space<vmem>>, vector<1x16xf32>,
        %get3A_461 = vector.shape_cast %get3A_460 : vector<1x16xf32> to vector<16xf32>
        %add3A_462 = arith.addf %get3A_447, %get3A_461 : vector<16xf32>
        %mul3A_463 = arith.constant 8 : i32
        %mul3A_464 = arith.muli %scan3A_441, %mul3A_463 : i32
        %add3A_465 = arith.constant 1 : i32
        %add3A_466 = arith.addi %mul3A_464, %add3A_465 : i32
        %get3A_467 = arith.index_cast %add3A_466 : i32 to index
        %get3A_468 = arith.constant 16 : index
        %get3A_469 = tpu.vector_load %arg17[%get3A_467, %get3A_468] {strides = array<i32>} : memref<1024x32xf32, #tpu.memory_space<vmem>>, vector<1x16xf32>,
        %get3A_470 = vector.shape_cast %get3A_469 : vector<1x16xf32> to vector<16xf32>
        %add3A_471 = arith.addf %get3A_453, %get3A_470 : vector<16xf32>
        %mul3A_472 = arith.constant 8 : i32
        %mul3A_473 = arith.muli %scan3A_441, %mul3A_472 : i32
        %add3A_474 = arith.constant 2 : i32
        %add3A_475 = arith.addi %mul3A_473, %add3A_474 : i32
        %get3A_476 = arith.index_cast %add3A_475 : i32 to index
        %get3A_477 = arith.constant 0 : index
        %get3A_478 = tpu.vector_load %arg17[%get3A_476, %get3A_477] {strides = array<i32>} : memref<1024x32xf32, #tpu.memory_space<vmem>>, vector<1x16xf32>,
        %get3A_479 = vector.shape_cast %get3A_478 : vector<1x16xf32> to vector<16xf32>
        %add3A_480 = arith.addf %add3A_462, %get3A_479 : vector<16xf32>
        %mul3A_481 = arith.constant 8 : i32
        %mul3A_482 = arith.muli %scan3A_441, %mul3A_481 : i32
        %add3A_483 = arith.constant 2 : i32
        %add3A_484 = arith.addi %mul3A_482, %add3A_483 : i32
        %get3A_485 = arith.index_cast %add3A_484 : i32 to index
        %get3A_486 = arith.constant 16 : index
        %get3A_487 = tpu.vector_load %arg17[%get3A_485, %get3A_486] {strides = array<i32>} : memref<1024x32xf32, #tpu.memory_space<vmem>>, vector<1x16xf32>,
        %get3A_488 = vector.shape_cast %get3A_487 : vector<1x16xf32> to vector<16xf32>
        %add3A_489 = arith.addf %add3A_471, %get3A_488 : vector<16xf32>
        %mul3A_490 = arith.constant 8 : i32
        %mul3A_491 = arith.muli %scan3A_441, %mul3A_490 : i32
        %add3A_492 = arith.constant 3 : i32
        %add3A_493 = arith.addi %mul3A_491, %add3A_492 : i32
        %get3A_494 = arith.index_cast %add3A_493 : i32 to index
        %get3A_495 = arith.constant 0 : index
        %get3A_496 = tpu.vector_load %arg17[%get3A_494, %get3A_495] {strides = array<i32>} : memref<1024x32xf32, #tpu.memory_space<vmem>>, vector<1x16xf32>,
        %get3A_497 = vector.shape_cast %get3A_496 : vector<1x16xf32> to vector<16xf32>
        %add3A_498 = arith.addf %add3A_480, %get3A_497 : vector<16xf32>
        %mul3A_499 = arith.constant 8 : i32
        %mul3A_500 = arith.muli %scan3A_441, %mul3A_499 : i32
        %add3A_501 = arith.constant 3 : i32
        %add3A_502 = arith.addi %mul3A_500, %add3A_501 : i32
        %get3A_503 = arith.index_cast %add3A_502 : i32 to index
        %get3A_504 = arith.constant 16 : index
        %get3A_505 = tpu.vector_load %arg17[%get3A_503, %get3A_504] {strides = array<i32>} : memref<1024x32xf32, #tpu.memory_space<vmem>>, vector<1x16xf32>,
        %get3A_506 = vector.shape_cast %get3A_505 : vector<1x16xf32> to vector<16xf32>
        %add3A_507 = arith.addf %add3A_489, %get3A_506 : vector<16xf32>
        %mul3A_508 = arith.constant 8 : i32
        %mul3A_509 = arith.muli %scan3A_441, %mul3A_508 : i32
        %add3A_510 = arith.constant 4 : i32
        %add3A_511 = arith.addi %mul3A_509, %add3A_510 : i32
        %get3A_512 = arith.index_cast %add3A_511 : i32 to index
        %get3A_513 = arith.constant 0 : index
        %get3A_514 = tpu.vector_load %arg17[%get3A_512, %get3A_513] {strides = array<i32>} : memref<1024x32xf32, #tpu.memory_space<vmem>>, vector<1x16xf32>,
        %get3A_515 = vector.shape_cast %get3A_514 : vector<1x16xf32> to vector<16xf32>
        %add3A_516 = arith.addf %add3A_498, %get3A_515 : vector<16xf32>
        %mul3A_517 = arith.constant 8 : i32
        %mul3A_518 = arith.muli %scan3A_441, %mul3A_517 : i32
        %add3A_519 = arith.constant 4 : i32
        %add3A_520 = arith.addi %mul3A_518, %add3A_519 : i32
        %get3A_521 = arith.index_cast %add3A_520 : i32 to index
        %get3A_522 = arith.constant 16 : index
        %get3A_523 = tpu.vector_load %arg17[%get3A_521, %get3A_522] {strides = array<i32>} : memref<1024x32xf32, #tpu.memory_space<vmem>>, vector<1x16xf32>,
        %get3A_524 = vector.shape_cast %get3A_523 : vector<1x16xf32> to vector<16xf32>
        %add3A_525 = arith.addf %add3A_507, %get3A_524 : vector<16xf32>
        %mul3A_526 = arith.constant 8 : i32
        %mul3A_527 = arith.muli %scan3A_441, %mul3A_526 : i32
        %add3A_528 = arith.constant 5 : i32
        %add3A_529 = arith.addi %mul3A_527, %add3A_528 : i32
        %get3A_530 = arith.index_cast %add3A_529 : i32 to index
        %get3A_531 = arith.constant 0 : index
        %get3A_532 = tpu.vector_load %arg17[%get3A_530, %get3A_531] {strides = array<i32>} : memref<1024x32xf32, #tpu.memory_space<vmem>>, vector<1x16xf32>,
        %get3A_533 = vector.shape_cast %get3A_532 : vector<1x16xf32> to vector<16xf32>
        %add3A_534 = arith.addf %add3A_516, %get3A_533 : vector<16xf32>
        %mul3A_535 = arith.constant 8 : i32
        %mul3A_536 = arith.muli %scan3A_441, %mul3A_535 : i32
        %add3A_537 = arith.constant 5 : i32
        %add3A_538 = arith.addi %mul3A_536, %add3A_537 : i32
        %get3A_539 = arith.index_cast %add3A_538 : i32 to index
        %get3A_540 = arith.constant 16 : index
        %get3A_541 = tpu.vector_load %arg17[%get3A_539, %get3A_540] {strides = array<i32>} : memref<1024x32xf32, #tpu.memory_space<vmem>>, vector<1x16xf32>,
        %get3A_542 = vector.shape_cast %get3A_541 : vector<1x16xf32> to vector<16xf32>
        %add3A_543 = arith.addf %add3A_525, %get3A_542 : vector<16xf32>
        %mul3A_544 = arith.constant 8 : i32
        %mul3A_545 = arith.muli %scan3A_441, %mul3A_544 : i32
        %add3A_546 = arith.constant 6 : i32
        %add3A_547 = arith.addi %mul3A_545, %add3A_546 : i32
        %get3A_548 = arith.index_cast %add3A_547 : i32 to index
        %get3A_549 = arith.constant 0 : index
        %get3A_550 = tpu.vector_load %arg17[%get3A_548, %get3A_549] {strides = array<i32>} : memref<1024x32xf32, #tpu.memory_space<vmem>>, vector<1x16xf32>,
        %get3A_551 = vector.shape_cast %get3A_550 : vector<1x16xf32> to vector<16xf32>
        %add3A_552 = arith.addf %add3A_534, %get3A_551 : vector<16xf32>
        %mul3A_553 = arith.constant 8 : i32
        %mul3A_554 = arith.muli %scan3A_441, %mul3A_553 : i32
        %add3A_555 = arith.constant 6 : i32
        %add3A_556 = arith.addi %mul3A_554, %add3A_555 : i32
        %get3A_557 = arith.index_cast %add3A_556 : i32 to index
        %get3A_558 = arith.constant 16 : index
        %get3A_559 = tpu.vector_load %arg17[%get3A_557, %get3A_558] {strides = array<i32>} : memref<1024x32xf32, #tpu.memory_space<vmem>>, vector<1x16xf32>,
        %get3A_560 = vector.shape_cast %get3A_559 : vector<1x16xf32> to vector<16xf32>
        %add3A_561 = arith.addf %add3A_543, %get3A_560 : vector<16xf32>
        %mul3A_562 = arith.constant 8 : i32
        %mul3A_563 = arith.muli %scan3A_441, %mul3A_562 : i32
        %add3A_564 = arith.constant 7 : i32
        %add3A_565 = arith.addi %mul3A_563, %add3A_564 : i32
        %get3A_566 = arith.index_cast %add3A_565 : i32 to index
        %get3A_567 = arith.constant 0 : index
        %get3A_568 = tpu.vector_load %arg17[%get3A_566, %get3A_567] {strides = array<i32>} : memref<1024x32xf32, #tpu.memory_space<vmem>>, vector<1x16xf32>,
        %get3A_569 = vector.shape_cast %get3A_568 : vector<1x16xf32> to vector<16xf32>
        %add3A_570 = arith.addf %add3A_552, %get3A_569 : vector<16xf32>
        %mul3A_571 = arith.constant 8 : i32
        %mul3A_572 = arith.muli %scan3A_441, %mul3A_571 : i32
        %add3A_573 = arith.constant 7 : i32
        %add3A_574 = arith.addi %mul3A_572, %add3A_573 : i32
        %get3A_575 = arith.index_cast %add3A_574 : i32 to index
        %get3A_576 = arith.constant 16 : index
        %get3A_577 = tpu.vector_load %arg17[%get3A_575, %get3A_576] {strides = array<i32>} : memref<1024x32xf32, #tpu.memory_space<vmem>>, vector<1x16xf32>,
        %get3A_578 = vector.shape_cast %get3A_577 : vector<1x16xf32> to vector<16xf32>
        %add3A_579 = arith.addf %add3A_561, %get3A_578 : vector<16xf32>
        %mul3A_580 = arith.constant 1.250000e-01 : f32
        %mul3A_581 = vector.broadcast %mul3A_580 : f32 to vector<16xf32>
        %mul3A_582 = arith.mulf %add3A_570, %mul3A_581 : vector<16xf32>
        %swap3A = arith.index_cast %scan3A_441 : i32 to index
        %swap3A_583 = arith.constant 0 : index
        %swap3A_584 = tpu.vector_load %arg19[%swap3A, %swap3A_583] {strides = array<i32>} : memref<128x32xf32, #tpu.memory_space<vmem>>, vector<1x16xf32>,
        %swap3A_585 = vector.shape_cast %swap3A_584 : vector<1x16xf32> to vector<16xf32>
        %swap3A_586 = vector.shape_cast %mul3A_582 : vector<16xf32> to vector<1x16xf32>
        tpu.vector_store %arg19[%swap3A, %swap3A_583], %swap3A_586 {strides = array<i32>} : memref<128x32xf32, #tpu.memory_space<vmem>>, vector<1x16xf32>,
        %mul3A_587 = arith.constant 1.250000e-01 : f32
        %mul3A_588 = vector.broadcast %mul3A_587 : f32 to vector<16xf32>
        %mul3A_589 = arith.mulf %add3A_579, %mul3A_588 : vector<16xf32>
        %swap3A_590 = arith.index_cast %scan3A_441 : i32 to index
        %swap3A_591 = arith.constant 16 : index
        %swap3A_592 = tpu.vector_load %arg19[%swap3A_590, %swap3A_591] {strides = array<i32>} : memref<128x32xf32, #tpu.memory_space<vmem>>, vector<1x16xf32>,
        %swap3A_593 = vector.shape_cast %swap3A_592 : vector<1x16xf32> to vector<16xf32>
        %swap3A_594 = vector.shape_cast %mul3A_589 : vector<16xf32> to vector<1x16xf32>
        tpu.vector_store %arg19[%swap3A_590, %swap3A_591], %swap3A_594 {strides = array<i32>} : memref<128x32xf32, #tpu.memory_space<vmem>>, vector<1x16xf32>,
        %scan3A_595 = arith.constant 0 : i32
        %scan3A_596 = arith.constant 1 : i32
        %scan3A_597 = arith.addi %scan3A_441, %scan3A_596 : i32
        %mul3A_598 = arith.constant 8 : i32
        %mul3A_599 = arith.muli %scan3A_597, %mul3A_598 : i32
        %get3A_600 = arith.index_cast %mul3A_599 : i32 to index
        %get3A_601 = arith.constant 0 : index
        %get3A_602 = tpu.vector_load %arg17[%get3A_600, %get3A_601] {strides = array<i32>} : memref<1024x32xf32, #tpu.memory_space<vmem>>, vector<1x16xf32>,
        %get3A_603 = vector.shape_cast %get3A_602 : vector<1x16xf32> to vector<16xf32>
        %mul3A_604 = arith.constant 8 : i32
        %mul3A_605 = arith.muli %scan3A_597, %mul3A_604 : i32
        %get3A_606 = arith.index_cast %mul3A_605 : i32 to index
        %get3A_607 = arith.constant 16 : index
        %get3A_608 = tpu.vector_load %arg17[%get3A_606, %get3A_607] {strides = array<i32>} : memref<1024x32xf32, #tpu.memory_space<vmem>>, vector<1x16xf32>,
        %get3A_609 = vector.shape_cast %get3A_608 : vector<1x16xf32> to vector<16xf32>
        %mul3A_610 = arith.constant 8 : i32
        %mul3A_611 = arith.muli %scan3A_597, %mul3A_610 : i32
        %add3A_612 = arith.constant 1 : i32
        %add3A_613 = arith.addi %mul3A_611, %add3A_612 : i32
        %get3A_614 = arith.index_cast %add3A_613 : i32 to index
        %get3A_615 = arith.constant 0 : index
        %get3A_616 = tpu.vector_load %arg17[%get3A_614, %get3A_615] {strides = array<i32>} : memref<1024x32xf32, #tpu.memory_space<vmem>>, vector<1x16xf32>,
        %get3A_617 = vector.shape_cast %get3A_616 : vector<1x16xf32> to vector<16xf32>
        %add3A_618 = arith.addf %get3A_603, %get3A_617 : vector<16xf32>
        %mul3A_619 = arith.constant 8 : i32
        %mul3A_620 = arith.muli %scan3A_597, %mul3A_619 : i32
        %add3A_621 = arith.constant 1 : i32
        %add3A_622 = arith.addi %mul3A_620, %add3A_621 : i32
        %get3A_623 = arith.index_cast %add3A_622 : i32 to index
        %get3A_624 = arith.constant 16 : index
        %get3A_625 = tpu.vector_load %arg17[%get3A_623, %get3A_624] {strides = array<i32>} : memref<1024x32xf32, #tpu.memory_space<vmem>>, vector<1x16xf32>,
        %get3A_626 = vector.shape_cast %get3A_625 : vector<1x16xf32> to vector<16xf32>
        %add3A_627 = arith.addf %get3A_609, %get3A_626 : vector<16xf32>
        %mul3A_628 = arith.constant 8 : i32
        %mul3A_629 = arith.muli %scan3A_597, %mul3A_628 : i32
        %add3A_630 = arith.constant 2 : i32
        %add3A_631 = arith.addi %mul3A_629, %add3A_630 : i32
        %get3A_632 = arith.index_cast %add3A_631 : i32 to index
        %get3A_633 = arith.constant 0 : index
        %get3A_634 = tpu.vector_load %arg17[%get3A_632, %get3A_633] {strides = array<i32>} : memref<1024x32xf32, #tpu.memory_space<vmem>>, vector<1x16xf32>,
        %get3A_635 = vector.shape_cast %get3A_634 : vector<1x16xf32> to vector<16xf32>
        %add3A_636 = arith.addf %add3A_618, %get3A_635 : vector<16xf32>
        %mul3A_637 = arith.constant 8 : i32
        %mul3A_638 = arith.muli %scan3A_597, %mul3A_637 : i32
        %add3A_639 = arith.constant 2 : i32
        %add3A_640 = arith.addi %mul3A_638, %add3A_639 : i32
        %get3A_641 = arith.index_cast %add3A_640 : i32 to index
        %get3A_642 = arith.constant 16 : index
        %get3A_643 = tpu.vector_load %arg17[%get3A_641, %get3A_642] {strides = array<i32>} : memref<1024x32xf32, #tpu.memory_space<vmem>>, vector<1x16xf32>,
        %get3A_644 = vector.shape_cast %get3A_643 : vector<1x16xf32> to vector<16xf32>
        %add3A_645 = arith.addf %add3A_627, %get3A_644 : vector<16xf32>
        %mul3A_646 = arith.constant 8 : i32
        %mul3A_647 = arith.muli %scan3A_597, %mul3A_646 : i32
        %add3A_648 = arith.constant 3 : i32
        %add3A_649 = arith.addi %mul3A_647, %add3A_648 : i32
        %get3A_650 = arith.index_cast %add3A_649 : i32 to index
        %get3A_651 = arith.constant 0 : index
        %get3A_652 = tpu.vector_load %arg17[%get3A_650, %get3A_651] {strides = array<i32>} : memref<1024x32xf32, #tpu.memory_space<vmem>>, vector<1x16xf32>,
        %get3A_653 = vector.shape_cast %get3A_652 : vector<1x16xf32> to vector<16xf32>
        %add3A_654 = arith.addf %add3A_636, %get3A_653 : vector<16xf32>
        %mul3A_655 = arith.constant 8 : i32
        %mul3A_656 = arith.muli %scan3A_597, %mul3A_655 : i32
        %add3A_657 = arith.constant 3 : i32
        %add3A_658 = arith.addi %mul3A_656, %add3A_657 : i32
        %get3A_659 = arith.index_cast %add3A_658 : i32 to index
        %get3A_660 = arith.constant 16 : index
        %get3A_661 = tpu.vector_load %arg17[%get3A_659, %get3A_660] {strides = array<i32>} : memref<1024x32xf32, #tpu.memory_space<vmem>>, vector<1x16xf32>,
        %get3A_662 = vector.shape_cast %get3A_661 : vector<1x16xf32> to vector<16xf32>
        %add3A_663 = arith.addf %add3A_645, %get3A_662 : vector<16xf32>
        %mul3A_664 = arith.constant 8 : i32
        %mul3A_665 = arith.muli %scan3A_597, %mul3A_664 : i32
        %add3A_666 = arith.constant 4 : i32
        %add3A_667 = arith.addi %mul3A_665, %add3A_666 : i32
        %get3A_668 = arith.index_cast %add3A_667 : i32 to index
        %get3A_669 = arith.constant 0 : index
        %get3A_670 = tpu.vector_load %arg17[%get3A_668, %get3A_669] {strides = array<i32>} : memref<1024x32xf32, #tpu.memory_space<vmem>>, vector<1x16xf32>,
        %get3A_671 = vector.shape_cast %get3A_670 : vector<1x16xf32> to vector<16xf32>
        %add3A_672 = arith.addf %add3A_654, %get3A_671 : vector<16xf32>
        %mul3A_673 = arith.constant 8 : i32
        %mul3A_674 = arith.muli %scan3A_597, %mul3A_673 : i32
        %add3A_675 = arith.constant 4 : i32
        %add3A_676 = arith.addi %mul3A_674, %add3A_675 : i32
        %get3A_677 = arith.index_cast %add3A_676 : i32 to index
        %get3A_678 = arith.constant 16 : index
        %get3A_679 = tpu.vector_load %arg17[%get3A_677, %get3A_678] {strides = array<i32>} : memref<1024x32xf32, #tpu.memory_space<vmem>>, vector<1x16xf32>,
        %get3A_680 = vector.shape_cast %get3A_679 : vector<1x16xf32> to vector<16xf32>
        %add3A_681 = arith.addf %add3A_663, %get3A_680 : vector<16xf32>
        %mul3A_682 = arith.constant 8 : i32
        %mul3A_683 = arith.muli %scan3A_597, %mul3A_682 : i32
        %add3A_684 = arith.constant 5 : i32
        %add3A_685 = arith.addi %mul3A_683, %add3A_684 : i32
        %get3A_686 = arith.index_cast %add3A_685 : i32 to index
        %get3A_687 = arith.constant 0 : index
        %get3A_688 = tpu.vector_load %arg17[%get3A_686, %get3A_687] {strides = array<i32>} : memref<1024x32xf32, #tpu.memory_space<vmem>>, vector<1x16xf32>,
        %get3A_689 = vector.shape_cast %get3A_688 : vector<1x16xf32> to vector<16xf32>
        %add3A_690 = arith.addf %add3A_672, %get3A_689 : vector<16xf32>
        %mul3A_691 = arith.constant 8 : i32
        %mul3A_692 = arith.muli %scan3A_597, %mul3A_691 : i32
        %add3A_693 = arith.constant 5 : i32
        %add3A_694 = arith.addi %mul3A_692, %add3A_693 : i32
        %get3A_695 = arith.index_cast %add3A_694 : i32 to index
        %get3A_696 = arith.constant 16 : index
        %get3A_697 = tpu.vector_load %arg17[%get3A_695, %get3A_696] {strides = array<i32>} : memref<1024x32xf32, #tpu.memory_space<vmem>>, vector<1x16xf32>,
        %get3A_698 = vector.shape_cast %get3A_697 : vector<1x16xf32> to vector<16xf32>
        %add3A_699 = arith.addf %add3A_681, %get3A_698 : vector<16xf32>
        %mul3A_700 = arith.constant 8 : i32
        %mul3A_701 = arith.muli %scan3A_597, %mul3A_700 : i32
        %add3A_702 = arith.constant 6 : i32
        %add3A_703 = arith.addi %mul3A_701, %add3A_702 : i32
        %get3A_704 = arith.index_cast %add3A_703 : i32 to index
        %get3A_705 = arith.constant 0 : index
        %get3A_706 = tpu.vector_load %arg17[%get3A_704, %get3A_705] {strides = array<i32>} : memref<1024x32xf32, #tpu.memory_space<vmem>>, vector<1x16xf32>,
        %get3A_707 = vector.shape_cast %get3A_706 : vector<1x16xf32> to vector<16xf32>
        %add3A_708 = arith.addf %add3A_690, %get3A_707 : vector<16xf32>
        %mul3A_709 = arith.constant 8 : i32
        %mul3A_710 = arith.muli %scan3A_597, %mul3A_709 : i32
        %add3A_711 = arith.constant 6 : i32
        %add3A_712 = arith.addi %mul3A_710, %add3A_711 : i32
        %get3A_713 = arith.index_cast %add3A_712 : i32 to index
        %get3A_714 = arith.constant 16 : index
        %get3A_715 = tpu.vector_load %arg17[%get3A_713, %get3A_714] {strides = array<i32>} : memref<1024x32xf32, #tpu.memory_space<vmem>>, vector<1x16xf32>,
        %get3A_716 = vector.shape_cast %get3A_715 : vector<1x16xf32> to vector<16xf32>
        %add3A_717 = arith.addf %add3A_699, %get3A_716 : vector<16xf32>
        %mul3A_718 = arith.constant 8 : i32
        %mul3A_719 = arith.muli %scan3A_597, %mul3A_718 : i32
        %add3A_720 = arith.constant 7 : i32
        %add3A_721 = arith.addi %mul3A_719, %add3A_720 : i32
        %get3A_722 = arith.index_cast %add3A_721 : i32 to index
        %get3A_723 = arith.constant 0 : index
        %get3A_724 = tpu.vector_load %arg17[%get3A_722, %get3A_723] {strides = array<i32>} : memref<1024x32xf32, #tpu.memory_space<vmem>>, vector<1x16xf32>,
        %get3A_725 = vector.shape_cast %get3A_724 : vector<1x16xf32> to vector<16xf32>
        %add3A_726 = arith.addf %add3A_708, %get3A_725 : vector<16xf32>
        %mul3A_727 = arith.constant 8 : i32
        %mul3A_728 = arith.muli %scan3A_597, %mul3A_727 : i32
        %add3A_729 = arith.constant 7 : i32
        %add3A_730 = arith.addi %mul3A_728, %add3A_729 : i32
        %get3A_731 = arith.index_cast %add3A_730 : i32 to index
        %get3A_732 = arith.constant 16 : index
        %get3A_733 = tpu.vector_load %arg17[%get3A_731, %get3A_732] {strides = array<i32>} : memref<1024x32xf32, #tpu.memory_space<vmem>>, vector<1x16xf32>,
        %get3A_734 = vector.shape_cast %get3A_733 : vector<1x16xf32> to vector<16xf32>
        %add3A_735 = arith.addf %add3A_717, %get3A_734 : vector<16xf32>
        %mul3A_736 = arith.constant 1.250000e-01 : f32
        %mul3A_737 = vector.broadcast %mul3A_736 : f32 to vector<16xf32>
        %mul3A_738 = arith.mulf %add3A_726, %mul3A_737 : vector<16xf32>
        %swap3A_739 = arith.index_cast %scan3A_597 : i32 to index
        %swap3A_740 = arith.constant 0 : index
        %swap3A_741 = tpu.vector_load %arg19[%swap3A_739, %swap3A_740] {strides = array<i32>} : memref<128x32xf32, #tpu.memory_space<vmem>>, vector<1x16xf32>,
        %swap3A_742 = vector.shape_cast %swap3A_741 : vector<1x16xf32> to vector<16xf32>
        %swap3A_743 = vector.shape_cast %mul3A_738 : vector<16xf32> to vector<1x16xf32>
        tpu.vector_store %arg19[%swap3A_739, %swap3A_740], %swap3A_743 {strides = array<i32>} : memref<128x32xf32, #tpu.memory_space<vmem>>, vector<1x16xf32>,
        %mul3A_744 = arith.constant 1.250000e-01 : f32
        %mul3A_745 = vector.broadcast %mul3A_744 : f32 to vector<16xf32>
        %mul3A_746 = arith.mulf %add3A_735, %mul3A_745 : vector<16xf32>
        %swap3A_747 = arith.index_cast %scan3A_597 : i32 to index
        %swap3A_748 = arith.constant 16 : index
        %swap3A_749 = tpu.vector_load %arg19[%swap3A_747, %swap3A_748] {strides = array<i32>} : memref<128x32xf32, #tpu.memory_space<vmem>>, vector<1x16xf32>,
        %swap3A_750 = vector.shape_cast %swap3A_749 : vector<1x16xf32> to vector<16xf32>
        %swap3A_751 = vector.shape_cast %mul3A_746 : vector<16xf32> to vector<1x16xf32>
        tpu.vector_store %arg19[%swap3A_747, %swap3A_748], %swap3A_751 {strides = array<i32>} : memref<128x32xf32, #tpu.memory_space<vmem>>, vector<1x16xf32>,
        %scan3A_752 = arith.constant 0 : i32
        scf.yield %scan3A_752 : i32
      }
      %scan3A_422 = arith.constant 128 : i32
      %mul3A_423 = arith.constant 2560 : i32
      %mul3A_424 = arith.muli %add3A, %mul3A_423 : i32
      %mul3A_425 = arith.constant 128 : i32
      %mul3A_426 = arith.muli %add3A_292, %mul3A_425 : i32
      %add3A_427 = arith.addi %mul3A_424, %mul3A_426 : i32
      %dma_start3A_428 = arith.constant 0 : i32
      %dma_start3A_429 = tpu.memref_slice %arg8[%add3A_427, %dma_start3A_428] : memref<81920x64xf32, #tpu.memory_space<hbm>> -> memref<128x16xf32, #tpu.memory_space<hbm>>
      %dma_start3A_430 = arith.constant 0 : i32
      %dma_start3A_431 = tpu.memref_slice %arg8[%add3A_427, %dma_start3A_430] : memref<81920x64xf32, #tpu.memory_space<hbm>> -> memref<128x16xf32, #tpu.memory_space<hbm>>
      tpu.enqueue_dma source(%arg13 : memref<128x16xf32, #tpu.memory_space<vmem>>) target(%dma_start3A_431 : memref<128x16xf32, #tpu.memory_space<hbm>>) target_semaphore(%arg23 : memref<!tpu.dma_semaphore, #tpu.memory_space<semaphore_mem>>)
      %dma_start3A_432 = arith.constant 16 : i32
      %dma_start3A_433 = tpu.memref_slice %arg8[%add3A_427, %dma_start3A_432] : memref<81920x64xf32, #tpu.memory_space<hbm>> -> memref<128x16xf32, #tpu.memory_space<hbm>>
      %dma_start3A_434 = arith.constant 16 : i32
      %dma_start3A_435 = tpu.memref_slice %arg8[%add3A_427, %dma_start3A_434] : memref<81920x64xf32, #tpu.memory_space<hbm>> -> memref<128x16xf32, #tpu.memory_space<hbm>>
      tpu.enqueue_dma source(%arg15 : memref<128x16xf32, #tpu.memory_space<vmem>>) target(%dma_start3A_435 : memref<128x16xf32, #tpu.memory_space<hbm>>) target_semaphore(%arg23 : memref<!tpu.dma_semaphore, #tpu.memory_space<semaphore_mem>>)
      %dma_start3A_436 = arith.constant 32 : i32
      %dma_start3A_437 = tpu.memref_slice %arg8[%add3A_427, %dma_start3A_436] : memref<81920x64xf32, #tpu.memory_space<hbm>> -> memref<128x32xf32, #tpu.memory_space<hbm>>
      %dma_start3A_438 = arith.constant 32 : i32
      %dma_start3A_439 = tpu.memref_slice %arg8[%add3A_427, %dma_start3A_438] : memref<81920x64xf32, #tpu.memory_space<hbm>> -> memref<128x32xf32, #tpu.memory_space<hbm>>
      tpu.enqueue_dma source(%arg19 : memref<128x32xf32, #tpu.memory_space<vmem>>) target(%dma_start3A_439 : memref<128x32xf32, #tpu.memory_space<hbm>>) target_semaphore(%arg23 : memref<!tpu.dma_semaphore, #tpu.memory_space<semaphore_mem>>)
      %scan3A_440 = arith.constant 0 : i32
      scf.yield %scan3A_440 : i32
    }
    %scan3A_107 = arith.constant 10 : i32
    %mul3A_108 = arith.constant 2560 : i32
    %mul3A_109 = arith.muli %add3A, %mul3A_108 : i32
    %add3A_110 = arith.constant 2304 : i32
    %add3A_111 = arith.addi %mul3A_109, %add3A_110 : i32
    %dma_wait3A = arith.constant 0 : i32
    %dma_wait3A_112 = tpu.memref_slice %arg8[%add3A_111, %dma_wait3A] : memref<81920x64xf32, #tpu.memory_space<hbm>> -> memref<128x16xf32, #tpu.memory_space<hbm>>
    %dma_wait3A_113 = arith.constant 0 : i32
    %dma_wait3A_114 = tpu.memref_slice %arg8[%add3A_111, %dma_wait3A_113] : memref<81920x64xf32, #tpu.memory_space<hbm>> -> memref<128x16xf32, #tpu.memory_space<hbm>>
    tpu.wait_dma2 semaphore(%arg22 : memref<!tpu.dma_semaphore, #tpu.memory_space<semaphore_mem>>) src(%arg12 : memref<128x16xf32, #tpu.memory_space<vmem>>) dst(%dma_wait3A_114 : memref<128x16xf32, #tpu.memory_space<hbm>>)
    %dma_wait3A_115 = arith.constant 16 : i32
    %dma_wait3A_116 = tpu.memref_slice %arg8[%add3A_111, %dma_wait3A_115] : memref<81920x64xf32, #tpu.memory_space<hbm>> -> memref<128x16xf32, #tpu.memory_space<hbm>>
    %dma_wait3A_117 = arith.constant 16 : i32
    %dma_wait3A_118 = tpu.memref_slice %arg8[%add3A_111, %dma_wait3A_117] : memref<81920x64xf32, #tpu.memory_space<hbm>> -> memref<128x16xf32, #tpu.memory_space<hbm>>
    tpu.wait_dma2 semaphore(%arg22 : memref<!tpu.dma_semaphore, #tpu.memory_space<semaphore_mem>>) src(%arg14 : memref<128x16xf32, #tpu.memory_space<vmem>>) dst(%dma_wait3A_118 : memref<128x16xf32, #tpu.memory_space<hbm>>)
    %dma_wait3A_119 = arith.constant 32 : i32
    %dma_wait3A_120 = tpu.memref_slice %arg8[%add3A_111, %dma_wait3A_119] : memref<81920x64xf32, #tpu.memory_space<hbm>> -> memref<128x32xf32, #tpu.memory_space<hbm>>
    %dma_wait3A_121 = arith.constant 32 : i32
    %dma_wait3A_122 = tpu.memref_slice %arg8[%add3A_111, %dma_wait3A_121] : memref<81920x64xf32, #tpu.memory_space<hbm>> -> memref<128x32xf32, #tpu.memory_space<hbm>>
    tpu.wait_dma2 semaphore(%arg22 : memref<!tpu.dma_semaphore, #tpu.memory_space<semaphore_mem>>) src(%arg18 : memref<128x32xf32, #tpu.memory_space<vmem>>) dst(%dma_wait3A_122 : memref<128x32xf32, #tpu.memory_space<hbm>>)
    %mul3A_123 = arith.constant 2560 : i32
    %mul3A_124 = arith.muli %add3A, %mul3A_123 : i32
    %add3A_125 = arith.constant 2432 : i32
    %add3A_126 = arith.addi %mul3A_124, %add3A_125 : i32
    %dma_wait3A_127 = arith.constant 0 : i32
    %dma_wait3A_128 = tpu.memref_slice %arg8[%add3A_126, %dma_wait3A_127] : memref<81920x64xf32, #tpu.memory_space<hbm>> -> memref<128x16xf32, #tpu.memory_space<hbm>>
    %dma_wait3A_129 = arith.constant 0 : i32
    %dma_wait3A_130 = tpu.memref_slice %arg8[%add3A_126, %dma_wait3A_129] : memref<81920x64xf32, #tpu.memory_space<hbm>> -> memref<128x16xf32, #tpu.memory_space<hbm>>
    tpu.wait_dma2 semaphore(%arg23 : memref<!tpu.dma_semaphore, #tpu.memory_space<semaphore_mem>>) src(%arg13 : memref<128x16xf32, #tpu.memory_space<vmem>>) dst(%dma_wait3A_130 : memref<128x16xf32, #tpu.memory_space<hbm>>)
    %dma_wait3A_131 = arith.constant 16 : i32
    %dma_wait3A_132 = tpu.memref_slice %arg8[%add3A_126, %dma_wait3A_131] : memref<81920x64xf32, #tpu.memory_space<hbm>> -> memref<128x16xf32, #tpu.memory_space<hbm>>
    %dma_wait3A_133 = arith.constant 16 : i32
    %dma_wait3A_134 = tpu.memref_slice %arg8[%add3A_126, %dma_wait3A_133] : memref<81920x64xf32, #tpu.memory_space<hbm>> -> memref<128x16xf32, #tpu.memory_space<hbm>>
    tpu.wait_dma2 semaphore(%arg23 : memref<!tpu.dma_semaphore, #tpu.memory_space<semaphore_mem>>) src(%arg15 : memref<128x16xf32, #tpu.memory_space<vmem>>) dst(%dma_wait3A_134 : memref<128x16xf32, #tpu.memory_space<hbm>>)
    %dma_wait3A_135 = arith.constant 32 : i32
    %dma_wait3A_136 = tpu.memref_slice %arg8[%add3A_126, %dma_wait3A_135] : memref<81920x64xf32, #tpu.memory_space<hbm>> -> memref<128x32xf32, #tpu.memory_space<hbm>>
    %dma_wait3A_137 = arith.constant 32 : i32
    %dma_wait3A_138 = tpu.memref_slice %arg8[%add3A_126, %dma_wait3A_137] : memref<81920x64xf32, #tpu.memory_space<hbm>> -> memref<128x32xf32, #tpu.memory_space<hbm>>
    tpu.wait_dma2 semaphore(%arg23 : memref<!tpu.dma_semaphore, #tpu.memory_space<semaphore_mem>>) src(%arg19 : memref<128x32xf32, #tpu.memory_space<vmem>>) dst(%dma_wait3A_138 : memref<128x32xf32, #tpu.memory_space<hbm>>)
    return
  }
}

</mosaic_0001>

<sc_bundles>
// kernel: kernel.3.cloned.1.call-start
scs
__scs_entry_jumppad:
0x0: {  	(pc) =	sbr.rel $0x88, $3  }
0x1: {  	(tag) =	ssettag $0x0;
	lr =	simm.s32 $0x1  }
0x2: {  	[smem:$0x3F9B] =	sst lr;
	_ =	strace $0xD0000000  }
0x3: {  	_ = 	snop  }
0x4: {  	_ = 	snop  }
0x5: {  	_ = 	snop  }
0x6: {  	_ = 	snop  }
0x7: {  	_ = 	snop  }
__scs_overlays_trampoline_lowered:
0x8: {  	[smem:$0x3FAA] =	sst s0  }
0x9: {  	[smem:$0x3FAB] =	sst s1  }
0xa: {  	[smem:$0x3FAC] =	sst s2  }
0xb: {  	[smem:$0x3FAD] =	sst s3  }
0xc: {  	[smem:$0x3FAE] =	sst s4  }
0xd: {  	[smem:$0x3FAF] =	sst s5  }
0xe: {  	[smem:$0x3FB0] =	sst s6  }
0xf: {  	[smem:$0x3FB1] =	sst s7  }
0x10: {  	[smem:$0x3FB2] =	sst s8  }
0x11: {  	[smem:$0x3FB3] =	sst s9;
	s0 =	simm.s32 @!p0 $0x0  }
0x12: {  	s1 =	sld [smem:$0x3F99];
	s0 =	simm.s32 @p0 $0x1  }
0x13: {  	[smem:$0x3FB4] =	sst s0;
	s0 =	simm.s32 @!p1 $0x0  }
0x14: {  	s2 =	sld [smem:$0x3F98];
	s0 =	simm.s32 @p1 $0x1  }
0x15: {  	[smem:$0x3FB5] =	sst s0;
	s0 =	simm.s32 @!p2 $0x0  }
0x16: {  	s3 =	sld [smem:$0x3FDB];
	s0 =	simm.s32 @p2 $0x1  }
0x17: {  	s4 =	simm.s32 $0x1BF5;
	[smem:$0x3FB7] =	sst s0  }
0x18: {  	s0 =	sld [smem:$0x3F9A];
	_ =	swait.ge [sflag:s4], $0x0  }
0x19: {  	s7 =	sld [smem:$0x3F9B]  }
0x1a: {  	s8 =	sadd.s32 $0xFFFFE003, lr  }
0x1b: {  	s9 =	sadd.s32 $0xFFFFFEF7, lr;
	s5 =	simm.s32 $0xFFFFFFFF;
	p2 =	slt.u32 s8, $0xFFFFF086  }
0x1c: {  	p1 =	slt.u32 s9, $0xF7A;
	s5 =	simm.s32 @!p2 $0x0  }
0x1d: {  	s5 =	simm.s32 @p1 $0x1;
	p0 =	seq.s32 s7, s2  }
0x1e: {  	s7 =	smul.u32 @!p0 $0xF7A, s2;
	p2 =	seq.s32 @!p0 s5, $0x0  }
0x1f: {  	s9 =	smul.u32 $0xF7A, s1;
	s8 =	simm.s32 @!p0 $0x1BF5;
	p2 =	por !p2, p0  }
0x20: {  	[sflag:s8] =	ssyncset.s32 @!p0 $0xFFFFF086;
	s6 =	sadd.s32 @!p0 s3, s7;
	s7 =	simm.s32 @!p0 $0x108  }
0x21: {  	s3 =	sadd.s32 s3, s9;
	s6 =	sadd.s32 @!p0 $0x88, s6;
	s7 =	simm.s32 @p2 $0x1082  }
0x22: {  	[simem:s7], [sflag:s8] =	dma.local @!p0 [hbm:s6], $0xF7A  }
0x23: {  	s9 =	sor.u32 $0xD0000000, s2;
	s6 =	simm.s32 $0x108;
	_ =	swait.ge @!p0 [sflag:s8], $0x0  }
0x24: {  	s3 =	sadd.s32 $0x88, s3;
	s6 =	simm.s32 @!p1 $0x1082;
	[sflag:s4] =	ssyncset.s32 $0xFFFFF086  }
0x25: {  	[simem:s6], [sflag:s4] =	dma.local [hbm:s3], $0xF7A  }
0x26: {  	[smem:$0x3F9B] =	sst s1;
	(tag) =	ssettag s2;
	_ =	strace s9  }
0x27: {  	s1 =	sld [smem:$0x3FAB]  }
0x28: {  	s2 =	sld [smem:$0x3FAC]  }
0x29: {  	s4 =	sld [smem:$0x3FAE]  }
0x2a: {  	p0 =	seq.s32 s5, $0x0;
	s5 =	sld [smem:$0x3FAF]  }
0x2b: {  	s6 =	sld [smem:$0x3FB0]  }
0x2c: {  	s7 =	sld [smem:$0x3FB1]  }
0x2d: {  	s3 =	simm.s32 $0x108;
	s8 =	sld [smem:$0x3FB2]  }
0x2e: {  	s3 =	simm.s32 @!p0 $0x1082;
	s9 =	sld [smem:$0x3FB3]  }
0x2f: {  	lr =	sadd.s32 s0, s3;
	s0 =	sld [smem:$0x3FAA]  }
0x30: {  	s3 =	sld [smem:$0x3FAD]  }
0x31: {  	[smem:$0x3FB6] =	sst s10  }
0x32: {  	s10 =	sld [smem:$0x3FB4];
	_ =	sdelay $0x3  }
0x33: {  	p0 =	seq.s32 s10, $0x1;
	s10 =	sld [smem:$0x3FB6];
	_ =	sdelay $0x3  }
0x34: {  	[smem:$0x3FB6] =	sst s10  }
0x35: {  	s10 =	sld [smem:$0x3FB5];
	_ =	sdelay $0x3  }
0x36: {  	p1 =	seq.s32 s10, $0x1;
	s10 =	sld [smem:$0x3FB6];
	_ =	sdelay $0x3  }
0x37: {  	[smem:$0x3FB6] =	sst s10  }
0x38: {  	s10 =	sld [smem:$0x3FB7]  }
0x39: {  	_ = 	snop;
	(pc) =	sbr.ind lr, $3  }
0x3a: {  	_ = 	snop  }
0x3b: {  	_ = 	snop  }
0x3c: {  	p2 =	seq.s32 s10, $0x1;
	s10 =	sld [smem:$0x3FB6]  }
0x3d: {  	_ =	shalt  }
0x3e: {  	_ =	shalt  }
0x3f: {  	_ =	shalt  }
0x40: {  	_ =	shalt  }
0x41: {  	_ =	shalt  }
0x42: {  	_ =	shalt  }
0x43: {  	_ =	shalt  }
0x44: {  	_ =	shalt  }
0x45: {  	_ =	shalt  }
0x46: {  	_ =	shalt  }
0x47: {  	_ =	shalt  }
0x48: {  	_ =	shalt  }
0x49: {  	_ =	shalt  }
0x4a: {  	_ =	shalt  }
0x4b: {  	_ =	shalt  }
0x4c: {  	_ =	shalt  }
0x4d: {  	_ =	shalt  }
0x4e: {  	_ =	shalt  }
0x4f: {  	_ =	shalt  }
0x50: {  	_ =	shalt  }
0x51: {  	_ =	shalt  }
0x52: {  	_ =	shalt  }
0x53: {  	_ =	shalt  }
0x54: {  	_ =	shalt  }
0x55: {  	_ =	shalt  }
0x56: {  	_ =	shalt  }
0x57: {  	_ =	shalt  }
0x58: {  	_ =	shalt  }
0x59: {  	_ =	shalt  }
0x5a: {  	_ =	shalt  }
0x5b: {  	_ =	shalt  }
0x5c: {  	_ =	shalt  }
0x5d: {  	_ =	shalt  }
0x5e: {  	_ =	shalt  }
0x5f: {  	_ =	shalt  }
0x60: {  	_ =	shalt  }
0x61: {  	_ =	shalt  }
0x62: {  	_ =	shalt  }
0x63: {  	_ =	shalt  }
0x64: {  	_ =	shalt  }
0x65: {  	_ =	shalt  }
0x66: {  	_ =	shalt  }
0x67: {  	_ =	shalt  }
0x68: {  	_ =	shalt  }
0x69: {  	_ =	shalt  }
0x6a: {  	_ =	shalt  }
0x6b: {  	_ =	shalt  }
0x6c: {  	_ =	shalt  }
0x6d: {  	_ =	shalt  }
0x6e: {  	_ =	shalt  }
0x6f: {  	_ =	shalt  }
0x70: {  	_ =	shalt  }
0x71: {  	_ =	shalt  }
0x72: {  	_ =	shalt  }
0x73: {  	_ =	shalt  }
0x74: {  	_ =	shalt  }
0x75: {  	_ =	shalt  }
0x76: {  	_ =	shalt  }
0x77: {  	_ =	shalt  }
0x78: {  	_ =	shalt  }
0x79: {  	_ =	shalt  }
0x7a: {  	_ =	shalt  }
0x7b: {  	_ =	shalt  }
0x7c: {  	_ =	shalt  }
0x7d: {  	_ =	shalt  }
0x7e: {  	_ =	shalt  }
0x7f: {  	_ =	shalt  }
0x80: {  	_ =	shalt  }
0x81: {  	_ =	shalt  }
0x82: {  	_ =	shalt  }
0x83: {  	_ =	shalt  }
0x84: {  	_ =	shalt  }
0x85: {  	_ =	shalt  }
0x86: {  	_ =	shalt  }
0x87: {  	_ =	shalt  }
.Lfunc_end0:
.L_simem_size_0:
called_computation_lowered:
.L_overlay_start_0:
0x88: {  	s2 =	sld [smem:$0x3FD9]  }
0x89: {  	s3 =	sld [smem:$0x3FFE];
	_ =	sdelay $0x1  }
0x8a: {  	s1 =	srdreg.scid  }
0x8b: {  	s0 =	sand.u32 $0x1, s1  }
0x8c: {  	s17 =	sshll.u32 s0, $0xA;
	s2 =	sadd.s32 s3, s2  }
0x8d: {  	s2 =	sadd.s32 s2, s17  }
0x8e: {  	[smem:$0x3FC2] =	sst s2  }
0x8f: {  	_ = 	snop  }
0x90: {  	s2 =	sld [smem:$0x3FD0];
	(tm) =	ssettm $0x1  }
0x91: {  	s18 =	sld [smem:$0x3FFB];
	_ =	sdelay $0x3  }
0x92: {  	_ =	strace s18  }
0x93: {  	s3 =	sld [smem:$0x3FFC];
	_ =	sdelay $0x3  }
0x94: {  	_ =	strace s3  }
0x95: {  	s3 =	sld [smem:$0x3FFD];
	_ =	sdelay $0x3  }
0x96: {  	_ =	strace s3  }
0x97: {  	_ =	strace $0x8FFFFFFF  }
0x98: {  	s19 =	sld [smem:$0x3FDB];
	_ =	sdelay $0x1  }
0x99: {  	s4 =	simm.s32 $_scs_section_size  }
0x9a: {  	s5 =	simm.s32 $_size__tile_overlayer_lowered;
	s6 =	simm.s32 $_tile_overlayer_lowered  }
0x9b: {  	s22 =	simm.s32 $0x1BFF;
	s21 =	sshll.u32 s6, $0x1;
	s3 =	sadd.s32 s4, s19  }
0x9c: {  	s7 =	simm.s32 $0x0;
	s20 =	sshll.u32 s5, $0x1;
	s5 =	sadd.s32 s21, s3  }
0x9d: {  	[timem:s7], [sflag:s22] =	dma.local [hbm:s5], s20  }
0x9e: {  	_ =	swait.ge [sflag:s22], s20  }
0x9f: {  	s4 =	ssub.s32 $0x0, s20;
	[sflag:s22] =	ssyncset.done $0x0  }
0xa0: {  	[sflag:s22] =	ssyncadd.s32 s4;
	_ =	sdelay $0x1  }
0xa1: {  	s23 =	simm.s32 $0x1B8B  }
0xa2: {  	_ =	swait.ge [sflag:s23], $0x1  }
0xa3: {  	[sflag:s23] =	ssyncset.done $0x0  }
0xa4: {  	s25 =	simm.s32 $0x1B8E;
	s24 =	sld [smem:$0x3FFE];
	[sflag:s23] =	ssyncadd.s32 $0xFFFFFFFF  }
0xa5: {  	s26 =	simm.s32 $execute0_lowered;
	[smem:$0x3FD2] =	sst s25  }
0xa6: {  	s5 =	sshll.u32 s26, $0x1;
	_ =	strace $0x80000046;
	[dreg:$0x1] =	wrdreg $0xFFFFFFFF  }
0xa7: {  	s28 =	simm.s32 $_size_execute0_lowered;
	s3 =	sadd.s32 s3, s5;
	[dreg:$0x0] =	wrdreg $0x0  }
0xa8: {  	s5 =	sshll.u32 s28, $0x1;
	[dreg:$0x2] =	wrdreg s3  }
0xa9: {  	[dreg:$0x3] =	wrdreg s5  }
0xaa: {  	[dreg:$0x4] =	wrdreg $0xC0  }
0xab: {  	_ =	task [dreg:s7], $0x5FFFF  }
0xac: {  	[dreg:$0x1] =	wrdreg $0xFFFFFFFF  }
0xad: {  	[dreg:$0x0] =	wrdreg $0x60  }
0xae: {  	[dreg:$0x2] =	wrdreg s24  }
0xaf: {  	[dreg:$0x3] =	wrdreg s2  }
0xb0: {  	[dreg:$0x4] =	wrdreg $0x9  }
0xb1: {  	_ =	task.clear_ibuf [dreg:s7], $0x5FFFF;
	_ =	strace $0x90000046  }
0xb2: {  	s29 =	simm.s32 $0x9;
	_ =	strace $0x80000048  }
0xb3: {  	_ =	swait.ge [sflag:s29], $0x1  }
0xb4: {  	[sflag:s29] =	ssyncadd.s32 $0xFFFFFFFF  }
0xb5: {  	_ =	strace $0x90000048  }
0xb6: {  	_ =	sfence  }
0xb7: {  	s30 =	sld [smem:$0x0];
	_ =	sdelay $0x2  }
0xb8: {  	s31 =	sshll.u32 s1, $0xD;
	s1 =	sshrl.u32 s1, $0x2  }
0xb9: {  	s3 =	sand.u32 $0x4000, s31;
	s1 =	sadd.s32 s1, s30  }
0xba: {  	s0 =	sor.u32 s3, s0;
	s1 =	sshll.u32 s1, $0x11  }
0xbb: {  	s0 =	sor.u32 s1, s0  }
0xbc: {  	s0 =	sadd.s32 $0x8F2B, s0  }
0xbd: {  	[sflag:s0] =	ssyncadd.remote.s32 $0x1  }
0xbe: {  	_ =	sfence.sel $0xFFFF  }
0xbf: {  	[dreg:$0x0] =	wrdreg $0xFFFFFFFF;
	(pc) =	sbr.abs _section_cstart, $3  }
0xc0: {  	[dreg:$0x1] =	wrdreg $0xFFFFFFFF  }
0xc1: {  	_ =	task.clear_ibuf [dreg:s7], $0x2FFFF;
	_ =	strace $0x9FFFFFFF  }
0xc2: {  	(tm) =	ssettm $0x7FFFFFFF  }
0xc3: {  	_ =	shalt  }
tec
execute0_lowered:
.L_overlay_start_1:
0x0: {  	(tag) =	ssettag $0x1  }
0x1: {  	s0 =	srdreg.scid  }
0x2: {  	s2 =	stileid.u32;
	s1 =	rddreg [dreg:$0x0];
	s5 =	simm.s32 $0x0  }
0x3: {  	s17 =	simm.s32 $0x80;
	s19 =	simm.s32 $0x7400;
	s22 =	simm.s32 $0x6C00  }
0x4: {  	s28 =	simm.s32 $0x13400;
	s29 =	simm.s32 $0x14400;
	s30 =	simm.s32 $0x15400  }
0x5: {  	s31 =	simm.s32 $0x16400;
	s20 =	simm.s32 $0x10;
	s21 =	simm.s32 $0x40  }
0x6: {  	s15 =	simm.s32 $0x20;
	s16 =	simm.s32 $0x18400;
	s13 =	simm.s32 $0x0  }
0x7: {  	s0 =	sand.u32 $0x1, s0;
	s3 =	sshll.u32 s2, $0x1;
	s2 =	rddreg [dreg:$0x1]  }
0x8: {  	[smem:$0x7FF] =	sst s5;
	s5 =	sadd.s32 $0xFC00, s1;
	s3 =	sor.u32 s0, s3  }
0x9: {  	s6 =	sadd.s32 $0x5E00, s1;
	_ =	strace $0x80000047;
	s4 =	smul.u32 $0x140, s3  }
0xa: {  	s0 =	ssub.s32 $0x2, s0;
	s11 =	sadd.s32 $0x2, s2;
	s23 =	smul.u32 $0xA00, s3  }
0xb: {  	s12 =	sadd.s32 $0x4, s2;
	s9 =	sshrl.u32 s0, $0x1;
	s10 =	smul.u32 $0x28000, s3  }
0xc: {  	s0 =	ssub.s32 s0, s9;
	s7 =	sadd.s32 s4, s1;
	s8 =	sadd.s32 s23, s1  }
0xd: {  	s4 =	sadd.s32 $0xF43400, s1;
	s0 =	smax.u32 s0, $0x1;
	s23 =	simm.s32 $0x7C00  }
0xe: {  	s1 =	simm.s32 $0x17400;
	s24 =	sadd.s32 $0x3600, s7;
	[dreg:$0x6] =	wrdreg s0  }
0xf: {  	s25 =	sadd.s32 $0xE00, s7;
	s26 =	sadd.s32 $0x200E00, s8;
	[dreg:$0x3] =	wrdreg s24  }
0x10: {  	s0 =	simm.s32 $0x1;
	s7 =	simm.s32 $0x2;
	[dreg:$0x4] =	wrdreg s25  }
0x11: {  	s8 =	simm.s32 $0x19400;
	[dreg:$0x5] =	wrdreg s26;
	s26 =	simm.s32 $0x12400  }
.LBB2_1:
0x12: {  	[dreg:$0x7] =	wrdreg s13  }
0x13: {  	s3 =	simm.s32 $0x0;
	s9 =	rddreg [dreg:$0x3];
	s13 =	simm.s32 $0x5  }
0x14: {  	[tilespmem:s3], [sflag:$0x5] =	stream.linear.gather [hbm4b:s9+s3], $0xA00, $0x38;
	[tilespmem:$0x1A400] =	vst v63  }
0x15: {  	_ =	swait.ge [sflag:s13], $0xA00  }
0x16: {  	[sflag:s13] =	ssyncset.done $0x0  }
0x17: {  	s14 =	simm.s32 $0xA00;
	s24 =	rddreg [dreg:$0x4];
	[sflag:s13] =	ssyncadd.s32 $0xFFFFF600  }
0x18: {  	[tilespmem:s14], [sflag:$0x5] =	stream.linear.gather [hbm4b:s24+s3], $0xA00, $0x38;
	[tilespmem:$0x1A400] =	vst v63  }
0x19: {  	_ =	swait.ge [sflag:s13], $0xA00  }
0x1a: {  	[sflag:s13] =	ssyncset.done $0x0  }
0x1b: {  	s18 =	simm.s32 $0x1400;
	s25 =	rddreg [dreg:$0x5];
	[sflag:s13] =	ssyncadd.s32 $0xFFFFF600  }
0x1c: {  	[tilespmem:s18], [sflag:$0x5] =	stream.linear.gather [hbm4b:s25+s3], $0x5000, $0x38;
	[tilespmem:$0x1A400] =	vst v63  }
0x1d: {  	_ =	swait.ge [sflag:s13], $0x5000  }
0x1e: {  	[sflag:s13] =	ssyncset.done $0x0  }
0x1f: {  	[sflag:s13] =	ssyncadd.s32 $0xFFFFB000;
	s13 =	simm.s32 $0x6400  }
0x20: {  	[tilespmem:s13], [sflag:$0x1] =	stream.indirect.gather [hbm4b:s4+s17], $0x10, s3, s17, $0xb8;
	[tilespmem:$0x1A400] =	vst v63  }
0x21: {  	_ = 	snop  }
0x22: {  	[tilespmem:s19], [sflag:$0x1] =	stream.indirect.gather [hbm4b:s5+s17], $0x10, s14, s17, $0xb8;
	[tilespmem:$0x1A400] =	vst v63  }
0x23: {  	s14 =	simm.s32 $0x8400  }
0x24: {  	[tilespmem:s14], [sflag:$0x1] =	stream.indirect.gather [hbm4b:s6+s17], $0x20, s18, s17, $0xb8;
	[tilespmem:$0x1A400] =	vst v63  }
0x25: {  	s24 =	simm.s32 $0x1480;
	s25 =	simm.s32 $0x9400  }
0x26: {  	[tilespmem:s25], [sflag:$0x1] =	stream.indirect.gather [hbm4b:s6+s17], $0x20, s24, s17, $0xb8;
	[tilespmem:$0x1A400] =	vst v63  }
0x27: {  	s9 =	simm.s32 $0x1500;
	s13 =	simm.s32 $0xA400  }
0x28: {  	[tilespmem:s13], [sflag:$0x1] =	stream.indirect.gather [hbm4b:s6+s17], $0x20, s9, s17, $0xb8;
	[tilespmem:$0x1A400] =	vst v63  }
0x29: {  	s14 =	simm.s32 $0x1580;
	s18 =	simm.s32 $0xB400  }
0x2a: {  	[tilespmem:s18], [sflag:$0x1] =	stream.indirect.gather [hbm4b:s6+s17], $0x20, s14, s17, $0xb8;
	[tilespmem:$0x1A400] =	vst v63  }
0x2b: {  	s24 =	simm.s32 $0x1600;
	s25 =	simm.s32 $0xC400  }
0x2c: {  	[tilespmem:s25], [sflag:$0x1] =	stream.indirect.gather [hbm4b:s6+s17], $0x20, s24, s17, $0xb8;
	[tilespmem:$0x1A400] =	vst v63  }
0x2d: {  	s9 =	simm.s32 $0x1680;
	s13 =	simm.s32 $0xD400  }
0x2e: {  	[tilespmem:s13], [sflag:$0x1] =	stream.indirect.gather [hbm4b:s6+s17], $0x20, s9, s17, $0xb8;
	[tilespmem:$0x1A400] =	vst v63  }
0x2f: {  	s14 =	simm.s32 $0x1700;
	s18 =	simm.s32 $0xE400  }
0x30: {  	[tilespmem:s18], [sflag:$0x1] =	stream.indirect.gather [hbm4b:s6+s17], $0x20, s14, s17, $0xb8;
	[tilespmem:$0x1A400] =	vst v63  }
0x31: {  	s24 =	simm.s32 $0x1780;
	s25 =	simm.s32 $0xF400;
	s14 =	simm.s32 $0x0  }
0x32: {  	[tilespmem:s25], [sflag:$0x1] =	stream.indirect.gather [hbm4b:s6+s17], $0x20, s24, s17, $0xb8;
	[tilespmem:$0x1A400] =	vst v63  }
.LBB2_2:
0x33: {  	p0 =	seq.s32 s14, $0x0  }
0x34: {  	s3 =	simm.s32 @!p0 $0x4  }
0x35: {  	_ =	swait.ge @!p0 [sflag:s3], $0x800  }
0x36: {  	[sflag:s3] =	ssyncset.done @!p0 $0x0  }
0x37: {  	[sflag:s3] =	ssyncadd.s32 @!p0 $0xFFFFF800  }
0x38: {  	_ =	swait.ge @!p0 [sflag:s3], $0x800  }
0x39: {  	[sflag:s3] =	ssyncset.done @!p0 $0x0  }
0x3a: {  	[sflag:s3] =	ssyncadd.s32 @!p0 $0xFFFFF800  }
0x3b: {  	_ =	swait.ge @!p0 [sflag:s3], $0x1000  }
0x3c: {  	s9 =	sshllo.u32 s14, $0x1;
	[sflag:s3] =	ssyncset.done @!p0 $0x0  }
0x3d: {  	s13 =	sshll.u32 s9, $0x7;
	[sflag:s3] =	ssyncadd.s32 @!p0 $0xFFFFF000  }
0x3e: {  	[tilespmem:s22], [sflag:$0x2] =	stream.indirect.gather [hbm4b:s4+s17], $0x10, s13, s17, $0xb8;
	[tilespmem:$0x1A400] =	vst v63  }
0x3f: {  	s18 =	sshll.u32 s9, $0xA;
	s3 =	sadd.s32 $0xA00, s13  }
0x40: {  	[tilespmem:s23], [sflag:$0x2] =	stream.indirect.gather [hbm4b:s5+s17], $0x10, s3, s17, $0xb8;
	[tilespmem:$0x1A400] =	vst v63  }
0x41: {  	s3 =	sand.u32 $0x3FFFFC00, s18  }
0x42: {  	s18 =	simm.s32 $0x10400;
	s13 =	sadd.s32 $0x1400, s3  }
0x43: {  	[tilespmem:s18], [sflag:$0x2] =	stream.indirect.gather [hbm4b:s6+s17], $0x20, s13, s17, $0xb8;
	[tilespmem:$0x1A400] =	vst v63  }
0x44: {  	s25 =	simm.s32 $0x11400;
	s24 =	sadd.s32 $0x1480, s3  }
0x45: {  	[tilespmem:s25], [sflag:$0x2] =	stream.indirect.gather [hbm4b:s6+s17], $0x20, s24, s17, $0xb8;
	[tilespmem:$0x1A400] =	vst v63  }
0x46: {  	s24 =	sadd.s32 $0x1500, s3  }
0x47: {  	[tilespmem:s26], [sflag:$0x2] =	stream.indirect.gather [hbm4b:s6+s17], $0x20, s24, s17, $0xb8;
	[tilespmem:$0x1A400] =	vst v63  }
0x48: {  	s25 =	sadd.s32 $0x1580, s3  }
0x49: {  	[tilespmem:s28], [sflag:$0x2] =	stream.indirect.gather [hbm4b:s6+s17], $0x20, s25, s17, $0xb8;
	[tilespmem:$0x1A400] =	vst v63  }
0x4a: {  	s18 =	sadd.s32 $0x1600, s3  }
0x4b: {  	[tilespmem:s29], [sflag:$0x2] =	stream.indirect.gather [hbm4b:s6+s17], $0x20, s18, s17, $0xb8;
	[tilespmem:$0x1A400] =	vst v63  }
0x4c: {  	s24 =	sadd.s32 $0x1680, s3  }
0x4d: {  	[tilespmem:s30], [sflag:$0x2] =	stream.indirect.gather [hbm4b:s6+s17], $0x20, s24, s17, $0xb8;
	[tilespmem:$0x1A400] =	vst v63  }
0x4e: {  	s25 =	sadd.s32 $0x1700, s3  }
0x4f: {  	[tilespmem:s31], [sflag:$0x2] =	stream.indirect.gather [hbm4b:s6+s17], $0x20, s25, s17, $0xb8;
	[tilespmem:$0x1A400] =	vst v63  }
0x50: {  	s3 =	sadd.s32 $0x1780, s3  }
0x51: {  	[tilespmem:s1], [sflag:$0x2] =	stream.indirect.gather [hbm4b:s6+s17], $0x20, s3, s17, $0xb8;
	[tilespmem:$0x1A400] =	vst v63  }
0x52: {  	_ =	swait.ge [sflag:s0], $0x800  }
0x53: {  	[sflag:s0] =	ssyncset.done $0x0  }
0x54: {  	[sflag:s0] =	ssyncadd.s32 $0xFFFFF800  }
0x55: {  	_ =	swait.ge [sflag:s0], $0x800  }
0x56: {  	[sflag:s0] =	ssyncset.done $0x0  }
0x57: {  	[sflag:s0] =	ssyncadd.s32 $0xFFFFF800  }
0x58: {  	_ =	swait.ge [sflag:s0], $0x1000  }
0x59: {  	[sflag:s0] =	ssyncset.done $0x0  }
0x5a: {  	[sflag:s0] =	ssyncadd.s32 $0xFFFFF000  }
0x5b: {  	_ =	swait.ge [sflag:s0], $0x1000  }
0x5c: {  	[sflag:s0] =	ssyncset.done $0x0  }
0x5d: {  	[sflag:s0] =	ssyncadd.s32 $0xFFFFF000  }
0x5e: {  	_ =	swait.ge [sflag:s0], $0x1000  }
0x5f: {  	[sflag:s0] =	ssyncset.done $0x0  }
0x60: {  	[sflag:s0] =	ssyncadd.s32 $0xFFFFF000  }
0x61: {  	_ =	swait.ge [sflag:s0], $0x1000  }
0x62: {  	[sflag:s0] =	ssyncset.done $0x0  }
0x63: {  	[sflag:s0] =	ssyncadd.s32 $0xFFFFF000  }
0x64: {  	_ =	swait.ge [sflag:s0], $0x1000  }
0x65: {  	[sflag:s0] =	ssyncset.done $0x0  }
0x66: {  	[sflag:s0] =	ssyncadd.s32 $0xFFFFF000  }
0x67: {  	_ =	swait.ge [sflag:s0], $0x1000  }
0x68: {  	[sflag:s0] =	ssyncset.done $0x0  }
0x69: {  	[sflag:s0] =	ssyncadd.s32 $0xFFFFF000  }
0x6a: {  	_ =	swait.ge [sflag:s0], $0x1000  }
0x6b: {  	[sflag:s0] =	ssyncset.done $0x0  }
0x6c: {  	[sflag:s0] =	ssyncadd.s32 $0xFFFFF000  }
0x6d: {  	_ =	swait.ge [sflag:s0], $0x1000  }
0x6e: {  	[sflag:s0] =	ssyncset.done $0x0  }
0x6f: {  	s13 =	simm.s32 $0x8500;
	[sflag:s0] =	ssyncadd.s32 $0xFFFFF000  }
0x70: {  	v0 =	vld [tilespmem:s13+$0xFFFFFF10]  }
0x71: {  	v1 =	vld [tilespmem:s13+$0xFFFFFF30]  }
0x72: {  	v2 =	vld [tilespmem:s13+$0xFFFFFF20]  }
0x73: {  	v3 =	vld [tilespmem:s13+$0xFFFFFF00]  }
0x74: {  	v4 =	vld [tilespmem:s13+$0xFFFFFF50]  }
0x75: {  	v5 =	vld [tilespmem:s13+$0xFFFFFF40]  }
0x76: {  	v6 =	vld [tilespmem:s13+$0xFFFFFF70]  }
0x77: {  	v0 =	vadd.f32 v1, v0;
	v1 =	vld [tilespmem:s13+$0xFFFFFF60]  }
0x78: {  	v2 =	vadd.f32 v2, v3;
	v3 =	vld [tilespmem:s13+$0xFFFFFF90]  }
0x79: {  	v52 =	vld [tilespmem:s13+$0xFFFFFF80];
	v0 =	vadd.f32 v4, v0  }
0x7a: {  	v53 =	vld [tilespmem:s13+$0xFFFFFFB0];
	v2 =	vadd.f32 v5, v2  }
0x7b: {  	v54 =	vld [tilespmem:s13+$0xFFFFFFA0];
	v0 =	vadd.f32 v6, v0  }
0x7c: {  	v1 =	vadd.f32 v1, v2;
	v2 =	vld [tilespmem:s13+$0xFFFFFFD0]  }
0x7d: {  	v0 =	vadd.f32 v3, v0;
	v3 =	vld [tilespmem:s13+$0xFFFFFFC0]  }
0x7e: {  	v55 =	vld [tilespmem:s13+$0xFFFFFFF0];
	v1 =	vadd.f32 v52, v1  }
0x7f: {  	v56 =	vld [tilespmem:s13+$0xFFFFFFE0];
	v0 =	vadd.f32 v53, v0  }
0x80: {  	v1 =	vadd.f32 v54, v1  }
0x81: {  	v0 =	vadd.f32 v2, v0  }
0x82: {  	v1 =	vadd.f32 v3, v1  }
0x83: {  	v0 =	vadd.f32 v55, v0  }
0x84: {  	v1 =	vadd.f32 v56, v1  }
0x85: {  	v0 =	vmul.f32 $1.250000000e-01, v0  }
0x86: {  	s3 =	simm.s32 $0x18420;
	v1 =	vmul.f32 $1.250000000e-01, v1  }
0x87: {  	[tilespmem:s3+$0xFFFFFFF0] =	vst v0  }
0x88: {  	[tilespmem:s3+$0xFFFFFFE0] =	vst v1  }
0x89: {  	v0 =	vld [tilespmem:s13+$0x0]  }
0x8a: {  	v1 =	vld [tilespmem:s13+$0x10]  }
0x8b: {  	v2 =	vld [tilespmem:s13+$0x30]  }
0x8c: {  	v3 =	vld [tilespmem:s13+$0x20]  }
0x8d: {  	v57 =	vld [tilespmem:s13+$0x50]  }
0x8e: {  	v58 =	vld [tilespmem:s13+$0x40]  }
0x8f: {  	v59 =	vld [tilespmem:s13+$0x70]  }
0x90: {  	v1 =	vadd.f32 v2, v1;
	v2 =	vld [tilespmem:s13+$0x60]  }
0x91: {  	v7 =	vld [tilespmem:s13+$0x90];
	v0 =	vadd.f32 v3, v0  }
0x92: {  	v3 =	vld [tilespmem:s13+$0x80]  }
0x93: {  	v60 =	vld [tilespmem:s13+$0xB0];
	v1 =	vadd.f32 v57, v1;
	v0 =	vadd.f32 v58, v0  }
0x94: {  	v61 =	vld [tilespmem:s13+$0xA0]  }
0x95: {  	v1 =	vadd.f32 v59, v1;
	v0 =	vadd.f32 v2, v0  }
0x96: {  	v62 =	vld [tilespmem:s13+$0xD0]  }
0x97: {  	v2 =	vld [tilespmem:s13+$0xC0];
	v1 =	vadd.f32 v7, v1;
	v0 =	vadd.f32 v3, v0  }
0x98: {  	v63 =	vld [tilespmem:s13+$0xF0]  }
0x99: {  	v1 =	vadd.f32 v60, v1;
	v3 =	vadd.f32 v61, v0;
	v0 =	vld [tilespmem:s13+$0xE0];
	_ =	sdelay $0x1  }
0x9a: {  	v1 =	vadd.f32 v62, v1  }
0x9b: {  	v2 =	vadd.f32 v2, v3  }
0x9c: {  	s18 =	simm.s32 $0x0;
	s24 =	sshll.u32 s14, $0x1;
	s25 =	simm.s32 $0x18420;
	v1 =	vadd.f32 v63, v1  }
.LBB2_3:
0x9d: {  	s18 =	sadd.s32 $0x2, s18;
	v0 =	vadd.f32 v0, v2;
	s13 =	sadd.s32 $0x200, s13;
	s3 =	sadd.s32 $0x40, s3  }
0x9e: {  	p0 =	slt.u32 s18, $0x7E;
	v1 =	vmul.f32 $1.250000000e-01, v1  }
0x9f: {  	v0 =	vmul.f32 $1.250000000e-01, v0  }
0xa0: {  	[tilespmem:s25+$0x10] =	vst v1  }
0xa1: {  	[tilespmem:s25+$0x0] =	vst v0;
	s25 =	smov.u32 s3  }
0xa2: {  	v0 =	vld [tilespmem:s13+$0xFFFFFF10]  }
0xa3: {  	v1 =	vld [tilespmem:s13+$0xFFFFFF30]  }
0xa4: {  	v2 =	vld [tilespmem:s13+$0xFFFFFF20]  }
0xa5: {  	v3 =	vld [tilespmem:s13+$0xFFFFFF00]  }
0xa6: {  	v4 =	vld [tilespmem:s13+$0xFFFFFF50]  }
0xa7: {  	v5 =	vld [tilespmem:s13+$0xFFFFFF40]  }
0xa8: {  	v6 =	vld [tilespmem:s13+$0xFFFFFF70]  }
0xa9: {  	v0 =	vadd.f32 v1, v0;
	v1 =	vld [tilespmem:s13+$0xFFFFFF60]  }
0xaa: {  	v2 =	vadd.f32 v2, v3;
	v3 =	vld [tilespmem:s13+$0xFFFFFF90]  }
0xab: {  	v0 =	vadd.f32 v4, v0;
	v4 =	vld [tilespmem:s13+$0xFFFFFF80]  }
0xac: {  	v2 =	vadd.f32 v5, v2;
	v5 =	vld [tilespmem:s13+$0xFFFFFFB0]  }
0xad: {  	v0 =	vadd.f32 v6, v0;
	v6 =	vld [tilespmem:s13+$0xFFFFFFA0]  }
0xae: {  	v1 =	vadd.f32 v1, v2;
	v2 =	vld [tilespmem:s13+$0xFFFFFFD0]  }
0xaf: {  	v0 =	vadd.f32 v3, v0;
	v3 =	vld [tilespmem:s13+$0xFFFFFFC0]  }
0xb0: {  	v1 =	vadd.f32 v4, v1;
	v4 =	vld [tilespmem:s13+$0xFFFFFFF0]  }
0xb1: {  	v0 =	vadd.f32 v5, v0;
	v5 =	vld [tilespmem:s13+$0xFFFFFFE0]  }
0xb2: {  	v1 =	vadd.f32 v6, v1  }
0xb3: {  	v0 =	vadd.f32 v2, v0  }
0xb4: {  	v1 =	vadd.f32 v3, v1  }
0xb5: {  	v0 =	vadd.f32 v4, v0  }
0xb6: {  	v1 =	vadd.f32 v5, v1  }
0xb7: {  	v0 =	vmul.f32 $1.250000000e-01, v0  }
0xb8: {  	v1 =	vmul.f32 $1.250000000e-01, v1  }
0xb9: {  	[tilespmem:s3+$0xFFFFFFF0] =	vst v0  }
0xba: {  	[tilespmem:s3+$0xFFFFFFE0] =	vst v1  }
0xbb: {  	v0 =	vld [tilespmem:s13+$0x0]  }
0xbc: {  	v1 =	vld [tilespmem:s13+$0x10]  }
0xbd: {  	v2 =	vld [tilespmem:s13+$0x30]  }
0xbe: {  	v3 =	vld [tilespmem:s13+$0x20]  }
0xbf: {  	v4 =	vld [tilespmem:s13+$0x50]  }
0xc0: {  	v5 =	vld [tilespmem:s13+$0x40]  }
0xc1: {  	v6 =	vld [tilespmem:s13+$0x70]  }
0xc2: {  	v1 =	vadd.f32 v2, v1;
	v2 =	vld [tilespmem:s13+$0x60]  }
0xc3: {  	v0 =	vadd.f32 v3, v0;
	v3 =	vld [tilespmem:s13+$0x90]  }
0xc4: {  	v1 =	vadd.f32 v4, v1;
	v4 =	vld [tilespmem:s13+$0x80]  }
0xc5: {  	v0 =	vadd.f32 v5, v0;
	v5 =	vld [tilespmem:s13+$0xB0]  }
0xc6: {  	v1 =	vadd.f32 v6, v1;
	v6 =	vld [tilespmem:s13+$0xA0]  }
0xc7: {  	v0 =	vadd.f32 v2, v0;
	v2 =	vld [tilespmem:s13+$0xD0]  }
0xc8: {  	v1 =	vadd.f32 v3, v1;
	v3 =	vld [tilespmem:s13+$0xC0]  }
0xc9: {  	v4 =	vadd.f32 v4, v0;
	v7 =	vld [tilespmem:s13+$0xF0]  }
.Ltmp0:
0xca: {  	v1 =	vadd.f32 v5, v1;
	v0 =	vld [tilespmem:s13+$0xE0];
	(pc) =	sbr.rel @p0 .LBB2_3-.Ltmp0, $4  }
0xcb: {  	v4 =	vadd.f32 v6, v4  }
0xcc: {  	v1 =	vadd.f32 v2, v1  }
0xcd: {  	v2 =	vadd.f32 v3, v4  }
0xce: {  	v1 =	vadd.f32 v7, v1  }
0xcf: {  	v0 =	vadd.f32 v0, v2  }
0xd0: {  	s3 =	sshll.u32 s14, $0xE;
	v1 =	vmul.f32 $1.250000000e-01, v1  }
0xd1: {  	s3 =	sadd.s32 s10, s3;
	v0 =	vmul.f32 $1.250000000e-01, v0  }
0xd2: {  	s3 =	sshrl.u32 s3, $0x3;
	[tilespmem:s25+$0x10] =	vst v1  }
0xd3: {  	s18 =	simm.s32 $0x6400;
	s13 =	sadd.s32 s2, s3;
	[tilespmem:s25+$0x0] =	vst v0  }
0xd4: {  	[hbm4b:s13+s20] =	stream.strided.scatter [tilespmem:s18], [sflag:$0x3], $0x800, s21, s20, $0x38;
	[tilespmem:$0x1A400] =	vst v63  }
0xd5: {  	s25 =	sadd.s32 s3, s11  }
0xd6: {  	[hbm4b:s25+s20] =	stream.strided.scatter [tilespmem:s19], [sflag:$0x3], $0x800, s21, s20, $0x38;
	[tilespmem:$0x1A400] =	vst v63  }
0xd7: {  	p0 =	seq.s32 s14, $0x9;
	s3 =	sadd.s32 s3, s12  }
0xd8: {  	[hbm4b:s3+s15] =	stream.strided.scatter [tilespmem:s16], [sflag:$0x3], $0x1000, s21, s15, $0x38;
	[tilespmem:$0x1A400] =	vst v63  }
0xd9: {  	s3 =	simm.s32 @!p0 $0x3  }
0xda: {  	_ =	swait.ge @!p0 [sflag:s3], $0x800  }
0xdb: {  	[sflag:s3] =	ssyncset.done @!p0 $0x0  }
0xdc: {  	[sflag:s3] =	ssyncadd.s32 @!p0 $0xFFFFF800  }
0xdd: {  	_ =	swait.ge @!p0 [sflag:s3], $0x800  }
0xde: {  	[sflag:s3] =	ssyncset.done @!p0 $0x0  }
0xdf: {  	[sflag:s3] =	ssyncadd.s32 @!p0 $0xFFFFF800  }
0xe0: {  	_ =	swait.ge @!p0 [sflag:s3], $0x1000  }
0xe1: {  	s13 =	sadd.s32 @!p0 $0x2, s24;
	s18 =	simm.s32 @!p0 $0x80;
	[sflag:s3] =	ssyncset.done @!p0 $0x0  }
0xe2: {  	s24 =	simm.s32 @!p0 $0x6400;
	[sflag:s3] =	ssyncadd.s32 @!p0 $0xFFFFF000;
	s3 =	sshll.u32 @!p0 s13, $0x7  }
0xe3: {  	[tilespmem:s24], [sflag:$0x1] =	stream.indirect.gather @!p0 [hbm4b:s4+s18], $0x10, s3, s18, $0xb8;
	[tilespmem:$0x1A400] =	vst v63  }
0xe4: {  	s3 =	sadd.s32 @!p0 $0xA00, s3;
	s24 =	simm.s32 @!p0 $0x7400  }
0xe5: {  	[tilespmem:s24], [sflag:$0x1] =	stream.indirect.gather @!p0 [hbm4b:s5+s18], $0x10, s3, s18, $0xb8;
	[tilespmem:$0x1A400] =	vst v63  }
0xe6: {  	s3 =	sshll.u32 @!p0 s13, $0xA  }
0xe7: {  	s3 =	sand.u32 @!p0 $0x3FFFFC00, s3  }
0xe8: {  	s24 =	simm.s32 @!p0 $0x8400;
	s13 =	sadd.s32 @!p0 $0x1400, s3  }
0xe9: {  	[tilespmem:s24], [sflag:$0x1] =	stream.indirect.gather @!p0 [hbm4b:s6+s18], $0x20, s13, s18, $0xb8;
	[tilespmem:$0x1A400] =	vst v63  }
0xea: {  	s13 =	sadd.s32 @!p0 $0x1480, s3;
	s24 =	simm.s32 @!p0 $0x9400  }
0xeb: {  	[tilespmem:s24], [sflag:$0x1] =	stream.indirect.gather @!p0 [hbm4b:s6+s18], $0x20, s13, s18, $0xb8;
	[tilespmem:$0x1A400] =	vst v63  }
0xec: {  	s13 =	sadd.s32 @!p0 $0x1500, s3;
	s24 =	simm.s32 @!p0 $0xA400  }
0xed: {  	[tilespmem:s24], [sflag:$0x1] =	stream.indirect.gather @!p0 [hbm4b:s6+s18], $0x20, s13, s18, $0xb8;
	[tilespmem:$0x1A400] =	vst v63  }
0xee: {  	s13 =	sadd.s32 @!p0 $0x1580, s3;
	s24 =	simm.s32 @!p0 $0xB400  }
0xef: {  	[tilespmem:s24], [sflag:$0x1] =	stream.indirect.gather @!p0 [hbm4b:s6+s18], $0x20, s13, s18, $0xb8;
	[tilespmem:$0x1A400] =	vst v63  }
0xf0: {  	s13 =	sadd.s32 @!p0 $0x1600, s3;
	s24 =	simm.s32 @!p0 $0xC400  }
0xf1: {  	[tilespmem:s24], [sflag:$0x1] =	stream.indirect.gather @!p0 [hbm4b:s6+s18], $0x20, s13, s18, $0xb8;
	[tilespmem:$0x1A400] =	vst v63  }
0xf2: {  	s13 =	sadd.s32 @!p0 $0x1680, s3;
	s24 =	simm.s32 @!p0 $0xD400  }
0xf3: {  	[tilespmem:s24], [sflag:$0x1] =	stream.indirect.gather @!p0 [hbm4b:s6+s18], $0x20, s13, s18, $0xb8;
	[tilespmem:$0x1A400] =	vst v63  }
0xf4: {  	s13 =	sadd.s32 @!p0 $0x1700, s3;
	s24 =	simm.s32 @!p0 $0xE400  }
0xf5: {  	[tilespmem:s24], [sflag:$0x1] =	stream.indirect.gather @!p0 [hbm4b:s6+s18], $0x20, s13, s18, $0xb8;
	[tilespmem:$0x1A400] =	vst v63  }
0xf6: {  	s3 =	sadd.s32 @!p0 $0x1780, s3;
	s13 =	simm.s32 @!p0 $0xF400  }
0xf7: {  	[tilespmem:s13], [sflag:$0x1] =	stream.indirect.gather @!p0 [hbm4b:s6+s18], $0x20, s3, s18, $0xb8;
	[tilespmem:$0x1A400] =	vst v63  }
0xf8: {  	_ =	swait.ge [sflag:s7], $0x800  }
0xf9: {  	[sflag:s7] =	ssyncset.done $0x0  }
0xfa: {  	[sflag:s7] =	ssyncadd.s32 $0xFFFFF800  }
0xfb: {  	_ =	swait.ge [sflag:s7], $0x800  }
0xfc: {  	[sflag:s7] =	ssyncset.done $0x0  }
0xfd: {  	[sflag:s7] =	ssyncadd.s32 $0xFFFFF800  }
0xfe: {  	_ =	swait.ge [sflag:s7], $0x1000  }
0xff: {  	[sflag:s7] =	ssyncset.done $0x0  }
0x100: {  	[sflag:s7] =	ssyncadd.s32 $0xFFFFF000  }
0x101: {  	_ =	swait.ge [sflag:s7], $0x1000  }
0x102: {  	[sflag:s7] =	ssyncset.done $0x0  }
0x103: {  	[sflag:s7] =	ssyncadd.s32 $0xFFFFF000  }
0x104: {  	_ =	swait.ge [sflag:s7], $0x1000  }
0x105: {  	[sflag:s7] =	ssyncset.done $0x0  }
0x106: {  	[sflag:s7] =	ssyncadd.s32 $0xFFFFF000  }
0x107: {  	_ =	swait.ge [sflag:s7], $0x1000  }
0x108: {  	[sflag:s7] =	ssyncset.done $0x0  }
0x109: {  	[sflag:s7] =	ssyncadd.s32 $0xFFFFF000  }
0x10a: {  	_ =	swait.ge [sflag:s7], $0x1000  }
0x10b: {  	[sflag:s7] =	ssyncset.done $0x0  }
0x10c: {  	[sflag:s7] =	ssyncadd.s32 $0xFFFFF000  }
0x10d: {  	_ =	swait.ge [sflag:s7], $0x1000  }
0x10e: {  	[sflag:s7] =	ssyncset.done $0x0  }
0x10f: {  	[sflag:s7] =	ssyncadd.s32 $0xFFFFF000  }
0x110: {  	_ =	swait.ge [sflag:s7], $0x1000  }
0x111: {  	[sflag:s7] =	ssyncset.done $0x0  }
0x112: {  	[sflag:s7] =	ssyncadd.s32 $0xFFFFF000  }
0x113: {  	_ =	swait.ge [sflag:s7], $0x1000  }
0x114: {  	[sflag:s7] =	ssyncset.done $0x0  }
0x115: {  	s13 =	simm.s32 $0x10500;
	[sflag:s7] =	ssyncadd.s32 $0xFFFFF000  }
0x116: {  	v0 =	vld [tilespmem:s13+$0xFFFFFF10]  }
0x117: {  	v1 =	vld [tilespmem:s13+$0xFFFFFF30]  }
0x118: {  	v2 =	vld [tilespmem:s13+$0xFFFFFF20]  }
0x119: {  	v3 =	vld [tilespmem:s13+$0xFFFFFF00]  }
0x11a: {  	v4 =	vld [tilespmem:s13+$0xFFFFFF50]  }
0x11b: {  	v5 =	vld [tilespmem:s13+$0xFFFFFF40]  }
0x11c: {  	v6 =	vld [tilespmem:s13+$0xFFFFFF70]  }
0x11d: {  	v0 =	vadd.f32 v1, v0;
	v1 =	vld [tilespmem:s13+$0xFFFFFF60]  }
0x11e: {  	v2 =	vadd.f32 v2, v3;
	v3 =	vld [tilespmem:s13+$0xFFFFFF90]  }
0x11f: {  	v52 =	vld [tilespmem:s13+$0xFFFFFF80];
	v0 =	vadd.f32 v4, v0  }
0x120: {  	v53 =	vld [tilespmem:s13+$0xFFFFFFB0];
	v2 =	vadd.f32 v5, v2  }
0x121: {  	v54 =	vld [tilespmem:s13+$0xFFFFFFA0];
	v0 =	vadd.f32 v6, v0  }
0x122: {  	v1 =	vadd.f32 v1, v2;
	v2 =	vld [tilespmem:s13+$0xFFFFFFD0]  }
0x123: {  	v0 =	vadd.f32 v3, v0;
	v3 =	vld [tilespmem:s13+$0xFFFFFFC0]  }
0x124: {  	v55 =	vld [tilespmem:s13+$0xFFFFFFF0];
	v1 =	vadd.f32 v52, v1  }
0x125: {  	v56 =	vld [tilespmem:s13+$0xFFFFFFE0];
	v0 =	vadd.f32 v53, v0  }
0x126: {  	v1 =	vadd.f32 v54, v1  }
0x127: {  	v0 =	vadd.f32 v2, v0  }
0x128: {  	v1 =	vadd.f32 v3, v1  }
0x129: {  	v0 =	vadd.f32 v55, v0  }
0x12a: {  	v1 =	vadd.f32 v56, v1  }
0x12b: {  	v0 =	vmul.f32 $1.250000000e-01, v0  }
0x12c: {  	s3 =	simm.s32 $0x19420;
	v1 =	vmul.f32 $1.250000000e-01, v1  }
0x12d: {  	[tilespmem:s3+$0xFFFFFFF0] =	vst v0  }
0x12e: {  	[tilespmem:s3+$0xFFFFFFE0] =	vst v1  }
0x12f: {  	v0 =	vld [tilespmem:s13+$0x0]  }
0x130: {  	v1 =	vld [tilespmem:s13+$0x10]  }
0x131: {  	v2 =	vld [tilespmem:s13+$0x30]  }
0x132: {  	v3 =	vld [tilespmem:s13+$0x20]  }
0x133: {  	v57 =	vld [tilespmem:s13+$0x50]  }
0x134: {  	v58 =	vld [tilespmem:s13+$0x40]  }
0x135: {  	v59 =	vld [tilespmem:s13+$0x70]  }
0x136: {  	v1 =	vadd.f32 v2, v1;
	v2 =	vld [tilespmem:s13+$0x60]  }
0x137: {  	v7 =	vld [tilespmem:s13+$0x90];
	v0 =	vadd.f32 v3, v0  }
0x138: {  	v3 =	vld [tilespmem:s13+$0x80]  }
0x139: {  	v60 =	vld [tilespmem:s13+$0xB0];
	v1 =	vadd.f32 v57, v1;
	v0 =	vadd.f32 v58, v0  }
0x13a: {  	v61 =	vld [tilespmem:s13+$0xA0]  }
0x13b: {  	v1 =	vadd.f32 v59, v1;
	v0 =	vadd.f32 v2, v0  }
0x13c: {  	v62 =	vld [tilespmem:s13+$0xD0]  }
0x13d: {  	v2 =	vld [tilespmem:s13+$0xC0];
	v1 =	vadd.f32 v7, v1;
	v0 =	vadd.f32 v3, v0  }
0x13e: {  	v63 =	vld [tilespmem:s13+$0xF0]  }
0x13f: {  	v1 =	vadd.f32 v60, v1;
	v3 =	vadd.f32 v61, v0;
	v0 =	vld [tilespmem:s13+$0xE0];
	_ =	sdelay $0x1  }
0x140: {  	v1 =	vadd.f32 v62, v1  }
0x141: {  	v2 =	vadd.f32 v2, v3  }
0x142: {  	s24 =	simm.s32 $0x19420;
	s18 =	simm.s32 $0x0;
	v1 =	vadd.f32 v63, v1  }
.LBB2_5:
0x143: {  	s18 =	sadd.s32 $0x2, s18;
	v0 =	vadd.f32 v0, v2;
	s13 =	sadd.s32 $0x200, s13;
	s3 =	sadd.s32 $0x40, s3  }
0x144: {  	p0 =	slt.u32 s18, $0x7E;
	v1 =	vmul.f32 $1.250000000e-01, v1  }
0x145: {  	v0 =	vmul.f32 $1.250000000e-01, v0  }
0x146: {  	[tilespmem:s24+$0x10] =	vst v1  }
0x147: {  	[tilespmem:s24+$0x0] =	vst v0;
	s24 =	smov.u32 s3  }
0x148: {  	v0 =	vld [tilespmem:s13+$0xFFFFFF10]  }
0x149: {  	v1 =	vld [tilespmem:s13+$0xFFFFFF30]  }
0x14a: {  	v2 =	vld [tilespmem:s13+$0xFFFFFF20]  }
0x14b: {  	v3 =	vld [tilespmem:s13+$0xFFFFFF00]  }
0x14c: {  	v4 =	vld [tilespmem:s13+$0xFFFFFF50]  }
0x14d: {  	v5 =	vld [tilespmem:s13+$0xFFFFFF40]  }
0x14e: {  	v6 =	vld [tilespmem:s13+$0xFFFFFF70]  }
0x14f: {  	v0 =	vadd.f32 v1, v0;
	v1 =	vld [tilespmem:s13+$0xFFFFFF60]  }
0x150: {  	v2 =	vadd.f32 v2, v3;
	v3 =	vld [tilespmem:s13+$0xFFFFFF90]  }
0x151: {  	v0 =	vadd.f32 v4, v0;
	v4 =	vld [tilespmem:s13+$0xFFFFFF80]  }
0x152: {  	v2 =	vadd.f32 v5, v2;
	v5 =	vld [tilespmem:s13+$0xFFFFFFB0]  }
0x153: {  	v0 =	vadd.f32 v6, v0;
	v6 =	vld [tilespmem:s13+$0xFFFFFFA0]  }
0x154: {  	v1 =	vadd.f32 v1, v2;
	v2 =	vld [tilespmem:s13+$0xFFFFFFD0]  }
0x155: {  	v0 =	vadd.f32 v3, v0;
	v3 =	vld [tilespmem:s13+$0xFFFFFFC0]  }
0x156: {  	v1 =	vadd.f32 v4, v1;
	v4 =	vld [tilespmem:s13+$0xFFFFFFF0]  }
0x157: {  	v0 =	vadd.f32 v5, v0;
	v5 =	vld [tilespmem:s13+$0xFFFFFFE0]  }
0x158: {  	v1 =	vadd.f32 v6, v1  }
0x159: {  	v0 =	vadd.f32 v2, v0  }
0x15a: {  	v1 =	vadd.f32 v3, v1  }
0x15b: {  	v0 =	vadd.f32 v4, v0  }
0x15c: {  	v1 =	vadd.f32 v5, v1  }
0x15d: {  	v0 =	vmul.f32 $1.250000000e-01, v0  }
0x15e: {  	v1 =	vmul.f32 $1.250000000e-01, v1  }
0x15f: {  	[tilespmem:s3+$0xFFFFFFF0] =	vst v0  }
0x160: {  	[tilespmem:s3+$0xFFFFFFE0] =	vst v1  }
0x161: {  	v0 =	vld [tilespmem:s13+$0x0]  }
0x162: {  	v1 =	vld [tilespmem:s13+$0x10]  }
0x163: {  	v2 =	vld [tilespmem:s13+$0x30]  }
0x164: {  	v3 =	vld [tilespmem:s13+$0x20]  }
0x165: {  	v4 =	vld [tilespmem:s13+$0x50]  }
0x166: {  	v5 =	vld [tilespmem:s13+$0x40]  }
0x167: {  	v6 =	vld [tilespmem:s13+$0x70]  }
0x168: {  	v1 =	vadd.f32 v2, v1;
	v2 =	vld [tilespmem:s13+$0x60]  }
0x169: {  	v0 =	vadd.f32 v3, v0;
	v3 =	vld [tilespmem:s13+$0x90]  }
0x16a: {  	v1 =	vadd.f32 v4, v1;
	v4 =	vld [tilespmem:s13+$0x80]  }
0x16b: {  	v0 =	vadd.f32 v5, v0;
	v5 =	vld [tilespmem:s13+$0xB0]  }
0x16c: {  	v1 =	vadd.f32 v6, v1;
	v6 =	vld [tilespmem:s13+$0xA0]  }
0x16d: {  	v0 =	vadd.f32 v2, v0;
	v2 =	vld [tilespmem:s13+$0xD0]  }
0x16e: {  	v1 =	vadd.f32 v3, v1;
	v3 =	vld [tilespmem:s13+$0xC0]  }
0x16f: {  	v4 =	vadd.f32 v4, v0;
	v7 =	vld [tilespmem:s13+$0xF0]  }
.Ltmp1:
0x170: {  	v1 =	vadd.f32 v5, v1;
	v0 =	vld [tilespmem:s13+$0xE0];
	(pc) =	sbr.rel @p0 .LBB2_5-.Ltmp1, $4  }
0x171: {  	v4 =	vadd.f32 v6, v4  }
0x172: {  	v1 =	vadd.f32 v2, v1  }
0x173: {  	v2 =	vadd.f32 v3, v4  }
0x174: {  	v1 =	vadd.f32 v7, v1  }
0x175: {  	v0 =	vadd.f32 v0, v2  }
0x176: {  	s3 =	sshll.u32 s9, $0xD;
	v1 =	vmul.f32 $1.250000000e-01, v1  }
0x177: {  	s3 =	sadd.s32 s10, s3;
	v0 =	vmul.f32 $1.250000000e-01, v0  }
0x178: {  	s14 =	sadd.s32 $0x1, s14;
	s3 =	sshrl.u32 s3, $0x3;
	[tilespmem:s24+$0x10] =	vst v1  }
0x179: {  	p0 =	sne.s32 s14, $0xA;
	[tilespmem:s24+$0x0] =	vst v0;
	s24 =	sadd.s32 s2, s3  }
0x17a: {  	[hbm4b:s24+s20] =	stream.strided.scatter [tilespmem:s22], [sflag:$0x4], $0x800, s21, s20, $0x38;
	[tilespmem:$0x1A400] =	vst v63  }
.Ltmp2:
0x17b: {  	_ = 	snop;
	(pc) =	sbr.rel @p0 .LBB2_2-.Ltmp2, $4  }
0x17c: {  	s25 =	sadd.s32 s3, s11  }
0x17d: {  	[hbm4b:s25+s20] =	stream.strided.scatter [tilespmem:s23], [sflag:$0x4], $0x800, s21, s20, $0x38;
	[tilespmem:$0x1A400] =	vst v63  }
0x17e: {  	s3 =	sadd.s32 s3, s12  }
0x17f: {  	[hbm4b:s3+s15] =	stream.strided.scatter [tilespmem:s8], [sflag:$0x4], $0x1000, s21, s15, $0x38;
	[tilespmem:$0x1A400] =	vst v63  }
0x180: {  	s3 =	simm.s32 $0x3  }
0x181: {  	_ =	swait.ge [sflag:s3], $0x800  }
0x182: {  	[sflag:s3] =	ssyncset.done $0x0  }
0x183: {  	[sflag:s3] =	ssyncadd.s32 $0xFFFFF800  }
0x184: {  	_ =	swait.ge [sflag:s3], $0x800  }
0x185: {  	[sflag:s3] =	ssyncset.done $0x0  }
0x186: {  	[sflag:s3] =	ssyncadd.s32 $0xFFFFF800  }
0x187: {  	_ =	swait.ge [sflag:s3], $0x1000  }
0x188: {  	[sflag:s3] =	ssyncset.done $0x0  }
0x189: {  	s9 =	simm.s32 $0x4;
	[sflag:s3] =	ssyncadd.s32 $0xFFFFF000  }
0x18a: {  	_ =	swait.ge [sflag:s9], $0x800  }
0x18b: {  	[sflag:s9] =	ssyncset.done $0x0  }
0x18c: {  	[sflag:s9] =	ssyncadd.s32 $0xFFFFF800  }
0x18d: {  	_ =	swait.ge [sflag:s9], $0x800  }
0x18e: {  	[sflag:s9] =	ssyncset.done $0x0  }
0x18f: {  	[sflag:s9] =	ssyncadd.s32 $0xFFFFF800  }
0x190: {  	_ =	swait.ge [sflag:s9], $0x1000  }
0x191: {  	s13 =	rddreg [dreg:$0x7]  }
0x192: {  	s25 =	rddreg [dreg:$0x6];
	s13 =	sadd.s32 $0x1, s13  }
0x193: {  	p0 =	sne.s32 s13, s25  }
.Ltmp3:
0x194: {  	_ = 	snop;
	(pc) =	sbr.rel @p0 .LBB2_1-.Ltmp3, $3  }
0x195: {  	_ =	sdelay $0x1  }
0x196: {  	[sflag:s9] =	ssyncset.done $0x0  }
0x197: {  	[sflag:s9] =	ssyncadd.s32 $0xFFFFF000  }
0x198: {  	_ =	sfence.sel $0x180000  }
0x199: {  	[bflag:$0x0] =	sbarrier.arrive $0xFFFF  }
0x19a: {  	_ =	strace $0x90000047  }
0x19b: {  	s0 =	stileid.u32;
	[bflag:$0x2] =	sbarrier.arrive $0xFFFF  }
0x19c: {  	p0 =	sne.s32 s0, $0x0;
	s0 =	rddreg [dreg:$0x2]  }
0x19d: {  	s0 =	sadd.s32 @!p0 $0x100000, s0  }
0x19e: {  	[sflag:s0] =	ssyncadd.tile.s32 @!p0 $0x1;
	_ =	shalt  }
.Lfunc_end2:
_tile_overlayer_lowered:
.L_overlay_start_2:
0x19f: {  	(tag) =	ssettag $0x2  }
0x1a0: {  	s0 =	rddreg [dreg:$0x0];
	s2 =	stileid.u32  }
0x1a1: {  	s1 =	rddreg [dreg:$0x1];
	p0 =	sne.s32 s2, $0x0  }
0x1a2: {  	s3 =	rddreg [dreg:$0x2];
	[bflag:$0x3] =	sbarrier.arrive $0xFFFF;
	s2 =	simm.s32 @!p0 $0x1C05  }
0x1a3: {  	[timem:s3], [sflag:s2] =	dma.local @!p0 [hbm:s0], s1  }
0x1a4: {  	s0 =	simm.s32 @!p0 $0x5  }
0x1a5: {  	_ =	swait.ge @!p0 [sflag:s0], s1  }
0x1a6: {  	s1 =	ssub.s32 @!p0 $0x0, s1;
	[sflag:s0] =	ssyncset.done @!p0 $0x0  }
0x1a7: {  	[sflag:s0] =	ssyncadd.s32 @!p0 s1  }
0x1a8: {  	[bflag:$0x3] =	sbarrier.arrive $0xFFFF  }
0x1a9: {  	_ =	shalt  }

</sc_bundles>
